<compile_context>
chip_gen: v7x
topology: tpu7x:2x2x1
jax: 0.10.2.dev20260603
libtpu: 0.0.44.dev20260713+nightly
codegen_flags: <defaults>
</compile_context>

<pallas_src>
import functools

import jax
import jax.numpy as jnp
from jax import lax
from jax.experimental import pallas as pl
from jax.experimental.pallas import tpu as pltpu
from jax.experimental.pallas import tpu_sc as plsc

HIDDEN = 1024
NUM_ROWS = 2
BATCH = 4
SEQ_LEN = 8192
TOTAL = BATCH * SEQ_LEN

NC = 2
NS = 16
NW = NC * NS

LANES = 16
QROWS = 4
NPAT = 2 ** QROWS
PER_W = TOTAL // NW
QUADS_PER_W = PER_W // QROWS
QPS = 8
NSTEP = QUADS_PER_W // QPS
QBLK = QROWS * HIDDEN

_mesh = plsc.VectorSubcoreMesh(core_axis_name="c", subcore_axis_name="s")


@functools.partial(
    pl.kernel,
    mesh=_mesh,
    compiler_params=pltpu.CompilerParams(
        needs_layout_passes=False, use_tc_tiling_on_sc=True),
    out_type=jax.ShapeDtypeStruct((BATCH, SEQ_LEN, HIDDEN), jnp.float32),
    scratch_types=[
        pltpu.VMEM((PER_W,), jnp.int32),
        pltpu.VMEM((NUM_ROWS, HIDDEN), jnp.float32),
        pltpu.VMEM((NPAT, QROWS, HIDDEN), jnp.float32),
        pltpu.SemaphoreType.DMA,
    ],
)
def _sc_lookup(seg_hbm, table_hbm, out_hbm, idx_v, tbl_v, quad_v, sem):
    wid = lax.axis_index("s") * NC + lax.axis_index("c")
    row_base = wid * PER_W
    b = wid // (SEQ_LEN // PER_W)
    s_base = (wid % (SEQ_LEN // PER_W)) * PER_W
    pltpu.sync_copy(table_hbm, tbl_v)
    pltpu.sync_copy(
        seg_hbm.at[b, pl.ds(s_base, PER_W)], idx_v)
    @plsc.parallel_loop(0, NPAT * QBLK // LANES, unroll=8)
    def _build(n):
        p = n >> 8
        r = (n >> 6) & 3
        bit = (p >> (3 - r)) & 1
        col = (n & 63) * LANES
        val = tbl_v[bit, pl.ds(col, LANES)]
        quad_v[p, r, pl.ds(col, LANES)] = val

    def _issue_step(step):
        svecs = [idx_v[pl.ds(step * (QPS * QROWS) + m * LANES, LANES)]
                 for m in range((QPS * QROWS) // LANES)]
        descs = []
        for q in range(QPS):
            qid = None
            for r in range(QROWS):
                flat = q * QROWS + r
                s = svecs[flat // LANES][flat % LANES]
                qid = s if qid is None else qid * 2 + s
            s0 = s_base + step * (QPS * QROWS) + q * QROWS
            descs.append(pltpu.async_copy(
                quad_v.at[qid], out_hbm.at[b, pl.ds(s0, QROWS), :], sem))
        return descs

    head = _issue_step(0)

    def _body(step, _):
        descs = _issue_step(step)
        for d in descs:
            d.wait()
        return _

    lax.fori_loop(1, NSTEP, _body, None)
    for d in head:
        d.wait()


def kernel(segments, table):
    seg = segments.astype(jnp.int32)
    return _sc_lookup(seg, table)

# --- scband reference (transcript-rebuilt; emitter-appended) ---
"""Pipeline reference for scband-segment-embedding-23450521436938 (READ-ONLY COPY).

The authoritative reference and input builder live on the scoring server;
editing this copy changes nothing except your own understanding.
"""

import jax, jax.numpy as jnp
import numpy as np

HIDDEN_SIZE = 1024
NUM_SEGMENTS = 2
BATCH = 4
SEQ_LEN = 8192


def setup_inputs(seed: int = 0) -> dict:
    key = jax.random.key(seed)
    k_idx, k_tab = jax.random.split(key)
    segments = jax.random.randint(k_idx, (BATCH, SEQ_LEN), 0, NUM_SEGMENTS, dtype=jnp.int64 if jax.config.jax_enable_x64 else jnp.int32)
    table = jax.random.normal(k_tab, (NUM_SEGMENTS, HIDDEN_SIZE), dtype=jnp.float32)
    return {"segments": segments, "table": table}


def reference(segments, table):
    # nn.Embedding(2, hidden_size)(segments) -> gather rows of the table
    return jnp.take(table, segments, axis=0)

if __name__ == "__main__":
    import jax
    _d = setup_inputs()
    print(jax.jit(kernel)(*tuple(_d.values())))

</pallas_src>

<mosaic_0001>
#map = affine_map<(d0, d1) -> (0, 0)>
#map1 = affine_map<(d0, d1) -> (0, 0, 0)>
module attributes {stable_mosaic.version = 14 : i64} {
  func.func @_sc_lookup(%arg0: i32, %arg1: i32, %arg2: memref<4x8192xi32, #tpu.memory_space<hbm>>, %arg3: memref<2x1024xf32, #tpu.memory_space<hbm>>, %arg4: memref<4x8192x1024xf32, #tpu.memory_space<hbm>>, %arg5: memref<1024xi32, #tpu.memory_space<vmem>>, %arg6: memref<2x1024xf32, #tpu.memory_space<vmem>>, %arg7: memref<16x4x1024xf32, #tpu.memory_space<vmem>>, %arg8: memref<!tpu.dma_semaphore, #tpu.memory_space<semaphore_mem>>) attributes {dimension_semantics = [#tpu.dimension_semantics<core_parallel>, #tpu.dimension_semantics<subcore_parallel>], iteration_bounds = array<i64: 2, 16>, scalar_prefetch = 0 : i64, scratch_operands = 4 : i64, tpu.core_type = #tpu.core_type<sc_vector_subcore>, window_params = [{transform_indices = #map}, {transform_indices = #map}, {transform_indices = #map1}]} {
    %mul3A = arith.constant 2 : i32
    %mul3A_0 = arith.muli %arg1, %mul3A : i32
    %add3A = arith.addi %mul3A_0, %arg0 : i32
    %mul3A_1 = arith.constant 1024 : i32
    %mul3A_2 = arith.muli %add3A, %mul3A_1 : i32
    %jit3A = arith.constant 8 : i32
    %div3A = arith.divsi %add3A, %jit3A : i32
    %sign3A = arith.constant 0 : i32
    %sign3A_3 = arith.cmpi sgt, %add3A, %sign3A : i32
    %sign3A_4 = arith.extui %sign3A_3 : i1 to i32
    %sign3A_5 = arith.constant 0 : i32
    %sign3A_6 = arith.cmpi slt, %add3A, %sign3A_5 : i32
    %sign3A_7 = arith.extui %sign3A_6 : i1 to i32
    %sign3A_8 = arith.subi %sign3A_4, %sign3A_7 : i32
    %sign3A_9 = arith.constant 0 : i32
    %sign3A_10 = arith.cmpi sgt, %jit3A, %sign3A_9 : i32
    %sign3A_11 = arith.extui %sign3A_10 : i1 to i32
    %sign3A_12 = arith.constant 0 : i32
    %sign3A_13 = arith.cmpi slt, %jit3A, %sign3A_12 : i32
    %sign3A_14 = arith.extui %sign3A_13 : i1 to i32
    %sign3A_15 = arith.subi %sign3A_11, %sign3A_14 : i32
    %ne3A = arith.cmpi ne, %sign3A_8, %sign3A_15 : i32
    %rem3A = arith.remsi %add3A, %jit3A : i32
    %ne3A_16 = arith.constant 0 : i32
    %ne3A_17 = arith.cmpi ne, %rem3A, %ne3A_16 : i32
    %and3A = arith.andi %ne3A, %ne3A_17 : i1
    %sub3A = arith.constant 1 : i32
    %sub3A_18 = arith.subi %div3A, %sub3A : i32
    %select_n3A = arith.select %and3A, %sub3A_18, %div3A : i32
    %jit3A_19 = arith.constant 8 : i32
    %eq3A = arith.constant 0 : i32
    %eq3A_20 = arith.cmpi eq, %jit3A_19, %eq3A : i32
    %jit3A_21 = arith.constant 1 : i32
    %select_n3A_22 = arith.select %eq3A_20, %jit3A_21, %jit3A_19 : i32
    %rem3A_23 = arith.remsi %add3A, %select_n3A_22 : i32
    %ne3A_24 = arith.constant 0 : i32
    %ne3A_25 = arith.cmpi ne, %rem3A_23, %ne3A_24 : i32
    %lt3A = arith.constant 0 : i32
    %lt3A_26 = arith.cmpi slt, %rem3A_23, %lt3A : i32
    %lt3A_27 = arith.constant 0 : i32
    %lt3A_28 = arith.cmpi slt, %select_n3A_22, %lt3A_27 : i32
    %ne3A_29 = arith.xori %lt3A_26, %lt3A_28 : i1
    %and3A_30 = arith.andi %ne3A_29, %ne3A_25 : i1
    %add3A_31 = arith.addi %rem3A_23, %select_n3A_22 : i32
    %select_n3A_32 = arith.select %and3A_30, %add3A_31, %rem3A_23 : i32
    %mul3A_33 = arith.constant 1024 : i32
    %mul3A_34 = arith.muli %select_n3A_32, %mul3A_33 : i32
    "tpu.region"() ({
      %run_scoped3A = tpu.sem_alloc : memref<!tpu.dma_semaphore, #tpu.memory_space<semaphore_mem>>
      tpu.enqueue_dma source(%arg3 : memref<2x1024xf32, #tpu.memory_space<hbm>>) target(%arg6 : memref<2x1024xf32, #tpu.memory_space<vmem>>) target_semaphore(%run_scoped3A : memref<!tpu.dma_semaphore, #tpu.memory_space<semaphore_mem>>)
      tpu.wait_dma2 semaphore(%run_scoped3A : memref<!tpu.dma_semaphore, #tpu.memory_space<semaphore_mem>>) src(%arg3 : memref<2x1024xf32, #tpu.memory_space<hbm>>) dst(%arg6 : memref<2x1024xf32, #tpu.memory_space<vmem>>)
      tpu.yield
    }) : () -> ()
    "tpu.region"() ({
      %run_scoped3A = tpu.sem_alloc : memref<!tpu.dma_semaphore, #tpu.memory_space<semaphore_mem>>
      %dma_start3A_432 = tpu.memref_slice %arg2[%select_n3A, %mul3A_34] : memref<4x8192xi32, #tpu.memory_space<hbm>> -> memref<1x1024xi32, #tpu.memory_space<hbm>>
      %dma_start3A_433 = tpu.memref_squeeze %dma_start3A_432 : memref<1x1024xi32, #tpu.memory_space<hbm>> -> memref<1024xi32, #tpu.memory_space<hbm>>
      %dma_start3A_434 = tpu.memref_slice %arg2[%select_n3A, %mul3A_34] : memref<4x8192xi32, #tpu.memory_space<hbm>> -> memref<1x1024xi32, #tpu.memory_space<hbm>>
      %dma_start3A_435 = tpu.memref_squeeze %dma_start3A_434 : memref<1x1024xi32, #tpu.memory_space<hbm>> -> memref<1024xi32, #tpu.memory_space<hbm>>
      tpu.enqueue_dma source(%dma_start3A_435 : memref<1024xi32, #tpu.memory_space<hbm>>) target(%arg5 : memref<1024xi32, #tpu.memory_space<vmem>>) target_semaphore(%run_scoped3A : memref<!tpu.dma_semaphore, #tpu.memory_space<semaphore_mem>>)
      %dma_wait3A_436 = tpu.memref_slice %arg2[%select_n3A, %mul3A_34] : memref<4x8192xi32, #tpu.memory_space<hbm>> -> memref<1x1024xi32, #tpu.memory_space<hbm>>
      %dma_wait3A_437 = tpu.memref_squeeze %dma_wait3A_436 : memref<1x1024xi32, #tpu.memory_space<hbm>> -> memref<1024xi32, #tpu.memory_space<hbm>>
      %dma_wait3A_438 = tpu.memref_slice %arg2[%select_n3A, %mul3A_34] : memref<4x8192xi32, #tpu.memory_space<hbm>> -> memref<1x1024xi32, #tpu.memory_space<hbm>>
      %dma_wait3A_439 = tpu.memref_squeeze %dma_wait3A_438 : memref<1x1024xi32, #tpu.memory_space<hbm>> -> memref<1024xi32, #tpu.memory_space<hbm>>
      tpu.wait_dma2 semaphore(%run_scoped3A : memref<!tpu.dma_semaphore, #tpu.memory_space<semaphore_mem>>) src(%dma_wait3A_439 : memref<1024xi32, #tpu.memory_space<hbm>>) dst(%arg5 : memref<1024xi32, #tpu.memory_space<vmem>>)
      tpu.yield
    }) : () -> ()
    %parallel_loop3A = arith.constant 0 : i32
    %parallel_loop3A_35 = arith.constant 4096 : i32
    %parallel_loop3A_36 = arith.constant 1 : i32
    scf.for %parallel_loop3A_432 = %parallel_loop3A to %parallel_loop3A_35 step %parallel_loop3A_36  : i32 {
      %parallel_loop3A_433 = arith.constant 8 : i32
      %parallel_loop3A_434 = arith.shrsi %parallel_loop3A_432, %parallel_loop3A_433 : i32
      %parallel_loop3A_435 = arith.constant 6 : i32
      %parallel_loop3A_436 = arith.shrsi %parallel_loop3A_432, %parallel_loop3A_435 : i32
      %parallel_loop3A_437 = arith.constant 3 : i32
      %parallel_loop3A_438 = arith.andi %parallel_loop3A_436, %parallel_loop3A_437 : i32
      %parallel_loop3A_439 = arith.constant 3 : i32
      %parallel_loop3A_440 = arith.subi %parallel_loop3A_439, %parallel_loop3A_438 : i32
      %parallel_loop3A_441 = arith.shrsi %parallel_loop3A_434, %parallel_loop3A_440 : i32
      %parallel_loop3A_442 = arith.constant 1 : i32
      %parallel_loop3A_443 = arith.andi %parallel_loop3A_441, %parallel_loop3A_442 : i32
      %parallel_loop3A_444 = arith.constant 63 : i32
      %parallel_loop3A_445 = arith.andi %parallel_loop3A_432, %parallel_loop3A_444 : i32
      %parallel_loop3A_446 = arith.constant 16 : i32
      %parallel_loop3A_447 = arith.muli %parallel_loop3A_445, %parallel_loop3A_446 : i32
      %parallel_loop3A_448 = arith.index_cast %parallel_loop3A_443 : i32 to index
      %parallel_loop3A_449 = arith.index_cast %parallel_loop3A_447 : i32 to index
      %parallel_loop3A_450 = tpu.vector_load %arg6[%parallel_loop3A_448, %parallel_loop3A_449] {strides = array<i32>} : memref<2x1024xf32, #tpu.memory_space<vmem>>, vector<16xf32>,
      %parallel_loop3A_451 = arith.index_cast %parallel_loop3A_434 : i32 to index
      %parallel_loop3A_452 = arith.index_cast %parallel_loop3A_438 : i32 to index
      %parallel_loop3A_453 = arith.index_cast %parallel_loop3A_447 : i32 to index
      %parallel_loop3A_454 = tpu.vector_load %arg7[%parallel_loop3A_451, %parallel_loop3A_452, %parallel_loop3A_453] {strides = array<i32>} : memref<16x4x1024xf32, #tpu.memory_space<vmem>>, vector<16xf32>,
      tpu.vector_store %arg7[%parallel_loop3A_451, %parallel_loop3A_452, %parallel_loop3A_453], %parallel_loop3A_450 {strides = array<i32>} : memref<16x4x1024xf32, #tpu.memory_space<vmem>>, vector<16xf32>,
    } {sc.loop_unroll_factor = 8 : i64, sc.parallel_access}
    %get3A = arith.constant 0 : index
    %get3A_37 = tpu.vector_load %arg5[%get3A] {strides = array<i32>} : memref<1024xi32, #tpu.memory_space<vmem>>, vector<16xi32>,
    %get3A_38 = arith.constant 16 : index
    %get3A_39 = tpu.vector_load %arg5[%get3A_38] {strides = array<i32>} : memref<1024xi32, #tpu.memory_space<vmem>>, vector<16xi32>,
    %slice3A = vector.extract_strided_slice %get3A_37 {offsets = [0], sizes = [1], strides = [1]} : vector<16xi32> to vector<1xi32>
    %squeeze3A = vector.extract %slice3A[0] : i32 from vector<1xi32>
    %slice3A_40 = vector.extract_strided_slice %get3A_37 {offsets = [1], sizes = [1], strides = [1]} : vector<16xi32> to vector<1xi32>
    %squeeze3A_41 = vector.extract %slice3A_40[0] : i32 from vector<1xi32>
    %mul3A_42 = arith.constant 2 : i32
    %mul3A_43 = arith.muli %squeeze3A, %mul3A_42 : i32
    %add3A_44 = arith.addi %mul3A_43, %squeeze3A_41 : i32
    %slice3A_45 = vector.extract_strided_slice %get3A_37 {offsets = [2], sizes = [1], strides = [1]} : vector<16xi32> to vector<1xi32>
    %squeeze3A_46 = vector.extract %slice3A_45[0] : i32 from vector<1xi32>
    %mul3A_47 = arith.constant 2 : i32
    %mul3A_48 = arith.muli %add3A_44, %mul3A_47 : i32
    %add3A_49 = arith.addi %mul3A_48, %squeeze3A_46 : i32
    %slice3A_50 = vector.extract_strided_slice %get3A_37 {offsets = [3], sizes = [1], strides = [1]} : vector<16xi32> to vector<1xi32>
    %squeeze3A_51 = vector.extract %slice3A_50[0] : i32 from vector<1xi32>
    %mul3A_52 = arith.constant 2 : i32
    %mul3A_53 = arith.muli %add3A_49, %mul3A_52 : i32
    %add3A_54 = arith.addi %mul3A_53, %squeeze3A_51 : i32
    %add3A_55 = arith.constant 0 : i32
    %add3A_56 = arith.addi %mul3A_34, %add3A_55 : i32
    %add3A_57 = arith.constant 0 : i32
    %add3A_58 = arith.addi %add3A_56, %add3A_57 : i32
    %dma_start3A = arith.constant 0 : i32
    %dma_start3A_59 = arith.constant 0 : i32
    %dma_start3A_60 = tpu.memref_slice %arg7[%add3A_54, %dma_start3A, %dma_start3A_59] : memref<16x4x1024xf32, #tpu.memory_space<vmem>> -> memref<1x4x1024xf32, #tpu.memory_space<vmem>>
    %dma_start3A_61 = tpu.memref_squeeze %dma_start3A_60 : memref<1x4x1024xf32, #tpu.memory_space<vmem>> -> memref<4x1024xf32, #tpu.memory_space<vmem>>
    %dma_start3A_62 = arith.constant 0 : i32
    %dma_start3A_63 = tpu.memref_slice %arg4[%select_n3A, %add3A_58, %dma_start3A_62] : memref<4x8192x1024xf32, #tpu.memory_space<hbm>> -> memref<1x4x1024xf32, #tpu.memory_space<hbm>>
    %dma_start3A_64 = tpu.memref_squeeze %dma_start3A_63 : memref<1x4x1024xf32, #tpu.memory_space<hbm>> -> memref<4x1024xf32, #tpu.memory_space<hbm>>
    %dma_start3A_65 = arith.constant 0 : i32
    %dma_start3A_66 = tpu.memref_slice %arg4[%select_n3A, %add3A_58, %dma_start3A_65] : memref<4x8192x1024xf32, #tpu.memory_space<hbm>> -> memref<1x4x1024xf32, #tpu.memory_space<hbm>>
    %dma_start3A_67 = tpu.memref_squeeze %dma_start3A_66 : memref<1x4x1024xf32, #tpu.memory_space<hbm>> -> memref<4x1024xf32, #tpu.memory_space<hbm>>
    %dma_start3A_68 = arith.constant 0 : i32
    %dma_start3A_69 = arith.constant 0 : i32
    %dma_start3A_70 = tpu.memref_slice %arg7[%add3A_54, %dma_start3A_68, %dma_start3A_69] : memref<16x4x1024xf32, #tpu.memory_space<vmem>> -> memref<1x4x1024xf32, #tpu.memory_space<vmem>>
    %dma_start3A_71 = tpu.memref_squeeze %dma_start3A_70 : memref<1x4x1024xf32, #tpu.memory_space<vmem>> -> memref<4x1024xf32, #tpu.memory_space<vmem>>
    tpu.enqueue_dma source(%dma_start3A_71 : memref<4x1024xf32, #tpu.memory_space<vmem>>) target(%dma_start3A_67 : memref<4x1024xf32, #tpu.memory_space<hbm>>) target_semaphore(%arg8 : memref<!tpu.dma_semaphore, #tpu.memory_space<semaphore_mem>>)
    %slice3A_72 = vector.extract_strided_slice %get3A_37 {offsets = [4], sizes = [1], strides = [1]} : vector<16xi32> to vector<1xi32>
    %squeeze3A_73 = vector.extract %slice3A_72[0] : i32 from vector<1xi32>
    %slice3A_74 = vector.extract_strided_slice %get3A_37 {offsets = [5], sizes = [1], strides = [1]} : vector<16xi32> to vector<1xi32>
    %squeeze3A_75 = vector.extract %slice3A_74[0] : i32 from vector<1xi32>
    %mul3A_76 = arith.constant 2 : i32
    %mul3A_77 = arith.muli %squeeze3A_73, %mul3A_76 : i32
    %add3A_78 = arith.addi %mul3A_77, %squeeze3A_75 : i32
    %slice3A_79 = vector.extract_strided_slice %get3A_37 {offsets = [6], sizes = [1], strides = [1]} : vector<16xi32> to vector<1xi32>
    %squeeze3A_80 = vector.extract %slice3A_79[0] : i32 from vector<1xi32>
    %mul3A_81 = arith.constant 2 : i32
    %mul3A_82 = arith.muli %add3A_78, %mul3A_81 : i32
    %add3A_83 = arith.addi %mul3A_82, %squeeze3A_80 : i32
    %slice3A_84 = vector.extract_strided_slice %get3A_37 {offsets = [7], sizes = [1], strides = [1]} : vector<16xi32> to vector<1xi32>
    %squeeze3A_85 = vector.extract %slice3A_84[0] : i32 from vector<1xi32>
    %mul3A_86 = arith.constant 2 : i32
    %mul3A_87 = arith.muli %add3A_83, %mul3A_86 : i32
    %add3A_88 = arith.addi %mul3A_87, %squeeze3A_85 : i32
    %add3A_89 = arith.constant 0 : i32
    %add3A_90 = arith.addi %mul3A_34, %add3A_89 : i32
    %add3A_91 = arith.constant 4 : i32
    %add3A_92 = arith.addi %add3A_90, %add3A_91 : i32
    %dma_start3A_93 = arith.constant 0 : i32
    %dma_start3A_94 = arith.constant 0 : i32
    %dma_start3A_95 = tpu.memref_slice %arg7[%add3A_88, %dma_start3A_93, %dma_start3A_94] : memref<16x4x1024xf32, #tpu.memory_space<vmem>> -> memref<1x4x1024xf32, #tpu.memory_space<vmem>>
    %dma_start3A_96 = tpu.memref_squeeze %dma_start3A_95 : memref<1x4x1024xf32, #tpu.memory_space<vmem>> -> memref<4x1024xf32, #tpu.memory_space<vmem>>
    %dma_start3A_97 = arith.constant 0 : i32
    %dma_start3A_98 = tpu.memref_slice %arg4[%select_n3A, %add3A_92, %dma_start3A_97] : memref<4x8192x1024xf32, #tpu.memory_space<hbm>> -> memref<1x4x1024xf32, #tpu.memory_space<hbm>>
    %dma_start3A_99 = tpu.memref_squeeze %dma_start3A_98 : memref<1x4x1024xf32, #tpu.memory_space<hbm>> -> memref<4x1024xf32, #tpu.memory_space<hbm>>
    %dma_start3A_100 = arith.constant 0 : i32
    %dma_start3A_101 = tpu.memref_slice %arg4[%select_n3A, %add3A_92, %dma_start3A_100] : memref<4x8192x1024xf32, #tpu.memory_space<hbm>> -> memref<1x4x1024xf32, #tpu.memory_space<hbm>>
    %dma_start3A_102 = tpu.memref_squeeze %dma_start3A_101 : memref<1x4x1024xf32, #tpu.memory_space<hbm>> -> memref<4x1024xf32, #tpu.memory_space<hbm>>
    %dma_start3A_103 = arith.constant 0 : i32
    %dma_start3A_104 = arith.constant 0 : i32
    %dma_start3A_105 = tpu.memref_slice %arg7[%add3A_88, %dma_start3A_103, %dma_start3A_104] : memref<16x4x1024xf32, #tpu.memory_space<vmem>> -> memref<1x4x1024xf32, #tpu.memory_space<vmem>>
    %dma_start3A_106 = tpu.memref_squeeze %dma_start3A_105 : memref<1x4x1024xf32, #tpu.memory_space<vmem>> -> memref<4x1024xf32, #tpu.memory_space<vmem>>
    tpu.enqueue_dma source(%dma_start3A_106 : memref<4x1024xf32, #tpu.memory_space<vmem>>) target(%dma_start3A_102 : memref<4x1024xf32, #tpu.memory_space<hbm>>) target_semaphore(%arg8 : memref<!tpu.dma_semaphore, #tpu.memory_space<semaphore_mem>>)
    %slice3A_107 = vector.extract_strided_slice %get3A_37 {offsets = [8], sizes = [1], strides = [1]} : vector<16xi32> to vector<1xi32>
    %squeeze3A_108 = vector.extract %slice3A_107[0] : i32 from vector<1xi32>
    %slice3A_109 = vector.extract_strided_slice %get3A_37 {offsets = [9], sizes = [1], strides = [1]} : vector<16xi32> to vector<1xi32>
    %squeeze3A_110 = vector.extract %slice3A_109[0] : i32 from vector<1xi32>
    %mul3A_111 = arith.constant 2 : i32
    %mul3A_112 = arith.muli %squeeze3A_108, %mul3A_111 : i32
    %add3A_113 = arith.addi %mul3A_112, %squeeze3A_110 : i32
    %slice3A_114 = vector.extract_strided_slice %get3A_37 {offsets = [10], sizes = [1], strides = [1]} : vector<16xi32> to vector<1xi32>
    %squeeze3A_115 = vector.extract %slice3A_114[0] : i32 from vector<1xi32>
    %mul3A_116 = arith.constant 2 : i32
    %mul3A_117 = arith.muli %add3A_113, %mul3A_116 : i32
    %add3A_118 = arith.addi %mul3A_117, %squeeze3A_115 : i32
    %slice3A_119 = vector.extract_strided_slice %get3A_37 {offsets = [11], sizes = [1], strides = [1]} : vector<16xi32> to vector<1xi32>
    %squeeze3A_120 = vector.extract %slice3A_119[0] : i32 from vector<1xi32>
    %mul3A_121 = arith.constant 2 : i32
    %mul3A_122 = arith.muli %add3A_118, %mul3A_121 : i32
    %add3A_123 = arith.addi %mul3A_122, %squeeze3A_120 : i32
    %add3A_124 = arith.constant 0 : i32
    %add3A_125 = arith.addi %mul3A_34, %add3A_124 : i32
    %add3A_126 = arith.constant 8 : i32
    %add3A_127 = arith.addi %add3A_125, %add3A_126 : i32
    %dma_start3A_128 = arith.constant 0 : i32
    %dma_start3A_129 = arith.constant 0 : i32
    %dma_start3A_130 = tpu.memref_slice %arg7[%add3A_123, %dma_start3A_128, %dma_start3A_129] : memref<16x4x1024xf32, #tpu.memory_space<vmem>> -> memref<1x4x1024xf32, #tpu.memory_space<vmem>>
    %dma_start3A_131 = tpu.memref_squeeze %dma_start3A_130 : memref<1x4x1024xf32, #tpu.memory_space<vmem>> -> memref<4x1024xf32, #tpu.memory_space<vmem>>
    %dma_start3A_132 = arith.constant 0 : i32
    %dma_start3A_133 = tpu.memref_slice %arg4[%select_n3A, %add3A_127, %dma_start3A_132] : memref<4x8192x1024xf32, #tpu.memory_space<hbm>> -> memref<1x4x1024xf32, #tpu.memory_space<hbm>>
    %dma_start3A_134 = tpu.memref_squeeze %dma_start3A_133 : memref<1x4x1024xf32, #tpu.memory_space<hbm>> -> memref<4x1024xf32, #tpu.memory_space<hbm>>
    %dma_start3A_135 = arith.constant 0 : i32
    %dma_start3A_136 = tpu.memref_slice %arg4[%select_n3A, %add3A_127, %dma_start3A_135] : memref<4x8192x1024xf32, #tpu.memory_space<hbm>> -> memref<1x4x1024xf32, #tpu.memory_space<hbm>>
    %dma_start3A_137 = tpu.memref_squeeze %dma_start3A_136 : memref<1x4x1024xf32, #tpu.memory_space<hbm>> -> memref<4x1024xf32, #tpu.memory_space<hbm>>
    %dma_start3A_138 = arith.constant 0 : i32
    %dma_start3A_139 = arith.constant 0 : i32
    %dma_start3A_140 = tpu.memref_slice %arg7[%add3A_123, %dma_start3A_138, %dma_start3A_139] : memref<16x4x1024xf32, #tpu.memory_space<vmem>> -> memref<1x4x1024xf32, #tpu.memory_space<vmem>>
    %dma_start3A_141 = tpu.memref_squeeze %dma_start3A_140 : memref<1x4x1024xf32, #tpu.memory_space<vmem>> -> memref<4x1024xf32, #tpu.memory_space<vmem>>
    tpu.enqueue_dma source(%dma_start3A_141 : memref<4x1024xf32, #tpu.memory_space<vmem>>) target(%dma_start3A_137 : memref<4x1024xf32, #tpu.memory_space<hbm>>) target_semaphore(%arg8 : memref<!tpu.dma_semaphore, #tpu.memory_space<semaphore_mem>>)
    %slice3A_142 = vector.extract_strided_slice %get3A_37 {offsets = [12], sizes = [1], strides = [1]} : vector<16xi32> to vector<1xi32>
    %squeeze3A_143 = vector.extract %slice3A_142[0] : i32 from vector<1xi32>
    %slice3A_144 = vector.extract_strided_slice %get3A_37 {offsets = [13], sizes = [1], strides = [1]} : vector<16xi32> to vector<1xi32>
    %squeeze3A_145 = vector.extract %slice3A_144[0] : i32 from vector<1xi32>
    %mul3A_146 = arith.constant 2 : i32
    %mul3A_147 = arith.muli %squeeze3A_143, %mul3A_146 : i32
    %add3A_148 = arith.addi %mul3A_147, %squeeze3A_145 : i32
    %slice3A_149 = vector.extract_strided_slice %get3A_37 {offsets = [14], sizes = [1], strides = [1]} : vector<16xi32> to vector<1xi32>
    %squeeze3A_150 = vector.extract %slice3A_149[0] : i32 from vector<1xi32>
    %mul3A_151 = arith.constant 2 : i32
    %mul3A_152 = arith.muli %add3A_148, %mul3A_151 : i32
    %add3A_153 = arith.addi %mul3A_152, %squeeze3A_150 : i32
    %slice3A_154 = vector.extract_strided_slice %get3A_37 {offsets = [15], sizes = [1], strides = [1]} : vector<16xi32> to vector<1xi32>
    %squeeze3A_155 = vector.extract %slice3A_154[0] : i32 from vector<1xi32>
    %mul3A_156 = arith.constant 2 : i32
    %mul3A_157 = arith.muli %add3A_153, %mul3A_156 : i32
    %add3A_158 = arith.addi %mul3A_157, %squeeze3A_155 : i32
    %add3A_159 = arith.constant 0 : i32
    %add3A_160 = arith.addi %mul3A_34, %add3A_159 : i32
    %add3A_161 = arith.constant 12 : i32
    %add3A_162 = arith.addi %add3A_160, %add3A_161 : i32
    %dma_start3A_163 = arith.constant 0 : i32
    %dma_start3A_164 = arith.constant 0 : i32
    %dma_start3A_165 = tpu.memref_slice %arg7[%add3A_158, %dma_start3A_163, %dma_start3A_164] : memref<16x4x1024xf32, #tpu.memory_space<vmem>> -> memref<1x4x1024xf32, #tpu.memory_space<vmem>>
    %dma_start3A_166 = tpu.memref_squeeze %dma_start3A_165 : memref<1x4x1024xf32, #tpu.memory_space<vmem>> -> memref<4x1024xf32, #tpu.memory_space<vmem>>
    %dma_start3A_167 = arith.constant 0 : i32
    %dma_start3A_168 = tpu.memref_slice %arg4[%select_n3A, %add3A_162, %dma_start3A_167] : memref<4x8192x1024xf32, #tpu.memory_space<hbm>> -> memref<1x4x1024xf32, #tpu.memory_space<hbm>>
    %dma_start3A_169 = tpu.memref_squeeze %dma_start3A_168 : memref<1x4x1024xf32, #tpu.memory_space<hbm>> -> memref<4x1024xf32, #tpu.memory_space<hbm>>
    %dma_start3A_170 = arith.constant 0 : i32
    %dma_start3A_171 = tpu.memref_slice %arg4[%select_n3A, %add3A_162, %dma_start3A_170] : memref<4x8192x1024xf32, #tpu.memory_space<hbm>> -> memref<1x4x1024xf32, #tpu.memory_space<hbm>>
    %dma_start3A_172 = tpu.memref_squeeze %dma_start3A_171 : memref<1x4x1024xf32, #tpu.memory_space<hbm>> -> memref<4x1024xf32, #tpu.memory_space<hbm>>
    %dma_start3A_173 = arith.constant 0 : i32
    %dma_start3A_174 = arith.constant 0 : i32
    %dma_start3A_175 = tpu.memref_slice %arg7[%add3A_158, %dma_start3A_173, %dma_start3A_174] : memref<16x4x1024xf32, #tpu.memory_space<vmem>> -> memref<1x4x1024xf32, #tpu.memory_space<vmem>>
    %dma_start3A_176 = tpu.memref_squeeze %dma_start3A_175 : memref<1x4x1024xf32, #tpu.memory_space<vmem>> -> memref<4x1024xf32, #tpu.memory_space<vmem>>
    tpu.enqueue_dma source(%dma_start3A_176 : memref<4x1024xf32, #tpu.memory_space<vmem>>) target(%dma_start3A_172 : memref<4x1024xf32, #tpu.memory_space<hbm>>) target_semaphore(%arg8 : memref<!tpu.dma_semaphore, #tpu.memory_space<semaphore_mem>>)
    %slice3A_177 = vector.extract_strided_slice %get3A_39 {offsets = [0], sizes = [1], strides = [1]} : vector<16xi32> to vector<1xi32>
    %squeeze3A_178 = vector.extract %slice3A_177[0] : i32 from vector<1xi32>
    %slice3A_179 = vector.extract_strided_slice %get3A_39 {offsets = [1], sizes = [1], strides = [1]} : vector<16xi32> to vector<1xi32>
    %squeeze3A_180 = vector.extract %slice3A_179[0] : i32 from vector<1xi32>
    %mul3A_181 = arith.constant 2 : i32
    %mul3A_182 = arith.muli %squeeze3A_178, %mul3A_181 : i32
    %add3A_183 = arith.addi %mul3A_182, %squeeze3A_180 : i32
    %slice3A_184 = vector.extract_strided_slice %get3A_39 {offsets = [2], sizes = [1], strides = [1]} : vector<16xi32> to vector<1xi32>
    %squeeze3A_185 = vector.extract %slice3A_184[0] : i32 from vector<1xi32>
    %mul3A_186 = arith.constant 2 : i32
    %mul3A_187 = arith.muli %add3A_183, %mul3A_186 : i32
    %add3A_188 = arith.addi %mul3A_187, %squeeze3A_185 : i32
    %slice3A_189 = vector.extract_strided_slice %get3A_39 {offsets = [3], sizes = [1], strides = [1]} : vector<16xi32> to vector<1xi32>
    %squeeze3A_190 = vector.extract %slice3A_189[0] : i32 from vector<1xi32>
    %mul3A_191 = arith.constant 2 : i32
    %mul3A_192 = arith.muli %add3A_188, %mul3A_191 : i32
    %add3A_193 = arith.addi %mul3A_192, %squeeze3A_190 : i32
    %add3A_194 = arith.constant 0 : i32
    %add3A_195 = arith.addi %mul3A_34, %add3A_194 : i32
    %add3A_196 = arith.constant 16 : i32
    %add3A_197 = arith.addi %add3A_195, %add3A_196 : i32
    %dma_start3A_198 = arith.constant 0 : i32
    %dma_start3A_199 = arith.constant 0 : i32
    %dma_start3A_200 = tpu.memref_slice %arg7[%add3A_193, %dma_start3A_198, %dma_start3A_199] : memref<16x4x1024xf32, #tpu.memory_space<vmem>> -> memref<1x4x1024xf32, #tpu.memory_space<vmem>>
    %dma_start3A_201 = tpu.memref_squeeze %dma_start3A_200 : memref<1x4x1024xf32, #tpu.memory_space<vmem>> -> memref<4x1024xf32, #tpu.memory_space<vmem>>
    %dma_start3A_202 = arith.constant 0 : i32
    %dma_start3A_203 = tpu.memref_slice %arg4[%select_n3A, %add3A_197, %dma_start3A_202] : memref<4x8192x1024xf32, #tpu.memory_space<hbm>> -> memref<1x4x1024xf32, #tpu.memory_space<hbm>>
    %dma_start3A_204 = tpu.memref_squeeze %dma_start3A_203 : memref<1x4x1024xf32, #tpu.memory_space<hbm>> -> memref<4x1024xf32, #tpu.memory_space<hbm>>
    %dma_start3A_205 = arith.constant 0 : i32
    %dma_start3A_206 = tpu.memref_slice %arg4[%select_n3A, %add3A_197, %dma_start3A_205] : memref<4x8192x1024xf32, #tpu.memory_space<hbm>> -> memref<1x4x1024xf32, #tpu.memory_space<hbm>>
    %dma_start3A_207 = tpu.memref_squeeze %dma_start3A_206 : memref<1x4x1024xf32, #tpu.memory_space<hbm>> -> memref<4x1024xf32, #tpu.memory_space<hbm>>
    %dma_start3A_208 = arith.constant 0 : i32
    %dma_start3A_209 = arith.constant 0 : i32
    %dma_start3A_210 = tpu.memref_slice %arg7[%add3A_193, %dma_start3A_208, %dma_start3A_209] : memref<16x4x1024xf32, #tpu.memory_space<vmem>> -> memref<1x4x1024xf32, #tpu.memory_space<vmem>>
    %dma_start3A_211 = tpu.memref_squeeze %dma_start3A_210 : memref<1x4x1024xf32, #tpu.memory_space<vmem>> -> memref<4x1024xf32, #tpu.memory_space<vmem>>
    tpu.enqueue_dma source(%dma_start3A_211 : memref<4x1024xf32, #tpu.memory_space<vmem>>) target(%dma_start3A_207 : memref<4x1024xf32, #tpu.memory_space<hbm>>) target_semaphore(%arg8 : memref<!tpu.dma_semaphore, #tpu.memory_space<semaphore_mem>>)
    %slice3A_212 = vector.extract_strided_slice %get3A_39 {offsets = [4], sizes = [1], strides = [1]} : vector<16xi32> to vector<1xi32>
    %squeeze3A_213 = vector.extract %slice3A_212[0] : i32 from vector<1xi32>
    %slice3A_214 = vector.extract_strided_slice %get3A_39 {offsets = [5], sizes = [1], strides = [1]} : vector<16xi32> to vector<1xi32>
    %squeeze3A_215 = vector.extract %slice3A_214[0] : i32 from vector<1xi32>
    %mul3A_216 = arith.constant 2 : i32
    %mul3A_217 = arith.muli %squeeze3A_213, %mul3A_216 : i32
    %add3A_218 = arith.addi %mul3A_217, %squeeze3A_215 : i32
    %slice3A_219 = vector.extract_strided_slice %get3A_39 {offsets = [6], sizes = [1], strides = [1]} : vector<16xi32> to vector<1xi32>
    %squeeze3A_220 = vector.extract %slice3A_219[0] : i32 from vector<1xi32>
    %mul3A_221 = arith.constant 2 : i32
    %mul3A_222 = arith.muli %add3A_218, %mul3A_221 : i32
    %add3A_223 = arith.addi %mul3A_222, %squeeze3A_220 : i32
    %slice3A_224 = vector.extract_strided_slice %get3A_39 {offsets = [7], sizes = [1], strides = [1]} : vector<16xi32> to vector<1xi32>
    %squeeze3A_225 = vector.extract %slice3A_224[0] : i32 from vector<1xi32>
    %mul3A_226 = arith.constant 2 : i32
    %mul3A_227 = arith.muli %add3A_223, %mul3A_226 : i32
    %add3A_228 = arith.addi %mul3A_227, %squeeze3A_225 : i32
    %add3A_229 = arith.constant 0 : i32
    %add3A_230 = arith.addi %mul3A_34, %add3A_229 : i32
    %add3A_231 = arith.constant 20 : i32
    %add3A_232 = arith.addi %add3A_230, %add3A_231 : i32
    %dma_start3A_233 = arith.constant 0 : i32
    %dma_start3A_234 = arith.constant 0 : i32
    %dma_start3A_235 = tpu.memref_slice %arg7[%add3A_228, %dma_start3A_233, %dma_start3A_234] : memref<16x4x1024xf32, #tpu.memory_space<vmem>> -> memref<1x4x1024xf32, #tpu.memory_space<vmem>>
    %dma_start3A_236 = tpu.memref_squeeze %dma_start3A_235 : memref<1x4x1024xf32, #tpu.memory_space<vmem>> -> memref<4x1024xf32, #tpu.memory_space<vmem>>
    %dma_start3A_237 = arith.constant 0 : i32
    %dma_start3A_238 = tpu.memref_slice %arg4[%select_n3A, %add3A_232, %dma_start3A_237] : memref<4x8192x1024xf32, #tpu.memory_space<hbm>> -> memref<1x4x1024xf32, #tpu.memory_space<hbm>>
    %dma_start3A_239 = tpu.memref_squeeze %dma_start3A_238 : memref<1x4x1024xf32, #tpu.memory_space<hbm>> -> memref<4x1024xf32, #tpu.memory_space<hbm>>
    %dma_start3A_240 = arith.constant 0 : i32
    %dma_start3A_241 = tpu.memref_slice %arg4[%select_n3A, %add3A_232, %dma_start3A_240] : memref<4x8192x1024xf32, #tpu.memory_space<hbm>> -> memref<1x4x1024xf32, #tpu.memory_space<hbm>>
    %dma_start3A_242 = tpu.memref_squeeze %dma_start3A_241 : memref<1x4x1024xf32, #tpu.memory_space<hbm>> -> memref<4x1024xf32, #tpu.memory_space<hbm>>
    %dma_start3A_243 = arith.constant 0 : i32
    %dma_start3A_244 = arith.constant 0 : i32
    %dma_start3A_245 = tpu.memref_slice %arg7[%add3A_228, %dma_start3A_243, %dma_start3A_244] : memref<16x4x1024xf32, #tpu.memory_space<vmem>> -> memref<1x4x1024xf32, #tpu.memory_space<vmem>>
    %dma_start3A_246 = tpu.memref_squeeze %dma_start3A_245 : memref<1x4x1024xf32, #tpu.memory_space<vmem>> -> memref<4x1024xf32, #tpu.memory_space<vmem>>
    tpu.enqueue_dma source(%dma_start3A_246 : memref<4x1024xf32, #tpu.memory_space<vmem>>) target(%dma_start3A_242 : memref<4x1024xf32, #tpu.memory_space<hbm>>) target_semaphore(%arg8 : memref<!tpu.dma_semaphore, #tpu.memory_space<semaphore_mem>>)
    %slice3A_247 = vector.extract_strided_slice %get3A_39 {offsets = [8], sizes = [1], strides = [1]} : vector<16xi32> to vector<1xi32>
    %squeeze3A_248 = vector.extract %slice3A_247[0] : i32 from vector<1xi32>
    %slice3A_249 = vector.extract_strided_slice %get3A_39 {offsets = [9], sizes = [1], strides = [1]} : vector<16xi32> to vector<1xi32>
    %squeeze3A_250 = vector.extract %slice3A_249[0] : i32 from vector<1xi32>
    %mul3A_251 = arith.constant 2 : i32
    %mul3A_252 = arith.muli %squeeze3A_248, %mul3A_251 : i32
    %add3A_253 = arith.addi %mul3A_252, %squeeze3A_250 : i32
    %slice3A_254 = vector.extract_strided_slice %get3A_39 {offsets = [10], sizes = [1], strides = [1]} : vector<16xi32> to vector<1xi32>
    %squeeze3A_255 = vector.extract %slice3A_254[0] : i32 from vector<1xi32>
    %mul3A_256 = arith.constant 2 : i32
    %mul3A_257 = arith.muli %add3A_253, %mul3A_256 : i32
    %add3A_258 = arith.addi %mul3A_257, %squeeze3A_255 : i32
    %slice3A_259 = vector.extract_strided_slice %get3A_39 {offsets = [11], sizes = [1], strides = [1]} : vector<16xi32> to vector<1xi32>
    %squeeze3A_260 = vector.extract %slice3A_259[0] : i32 from vector<1xi32>
    %mul3A_261 = arith.constant 2 : i32
    %mul3A_262 = arith.muli %add3A_258, %mul3A_261 : i32
    %add3A_263 = arith.addi %mul3A_262, %squeeze3A_260 : i32
    %add3A_264 = arith.constant 0 : i32
    %add3A_265 = arith.addi %mul3A_34, %add3A_264 : i32
    %add3A_266 = arith.constant 24 : i32
    %add3A_267 = arith.addi %add3A_265, %add3A_266 : i32
    %dma_start3A_268 = arith.constant 0 : i32
    %dma_start3A_269 = arith.constant 0 : i32
    %dma_start3A_270 = tpu.memref_slice %arg7[%add3A_263, %dma_start3A_268, %dma_start3A_269] : memref<16x4x1024xf32, #tpu.memory_space<vmem>> -> memref<1x4x1024xf32, #tpu.memory_space<vmem>>
    %dma_start3A_271 = tpu.memref_squeeze %dma_start3A_270 : memref<1x4x1024xf32, #tpu.memory_space<vmem>> -> memref<4x1024xf32, #tpu.memory_space<vmem>>
    %dma_start3A_272 = arith.constant 0 : i32
    %dma_start3A_273 = tpu.memref_slice %arg4[%select_n3A, %add3A_267, %dma_start3A_272] : memref<4x8192x1024xf32, #tpu.memory_space<hbm>> -> memref<1x4x1024xf32, #tpu.memory_space<hbm>>
    %dma_start3A_274 = tpu.memref_squeeze %dma_start3A_273 : memref<1x4x1024xf32, #tpu.memory_space<hbm>> -> memref<4x1024xf32, #tpu.memory_space<hbm>>
    %dma_start3A_275 = arith.constant 0 : i32
    %dma_start3A_276 = tpu.memref_slice %arg4[%select_n3A, %add3A_267, %dma_start3A_275] : memref<4x8192x1024xf32, #tpu.memory_space<hbm>> -> memref<1x4x1024xf32, #tpu.memory_space<hbm>>
    %dma_start3A_277 = tpu.memref_squeeze %dma_start3A_276 : memref<1x4x1024xf32, #tpu.memory_space<hbm>> -> memref<4x1024xf32, #tpu.memory_space<hbm>>
    %dma_start3A_278 = arith.constant 0 : i32
    %dma_start3A_279 = arith.constant 0 : i32
    %dma_start3A_280 = tpu.memref_slice %arg7[%add3A_263, %dma_start3A_278, %dma_start3A_279] : memref<16x4x1024xf32, #tpu.memory_space<vmem>> -> memref<1x4x1024xf32, #tpu.memory_space<vmem>>
    %dma_start3A_281 = tpu.memref_squeeze %dma_start3A_280 : memref<1x4x1024xf32, #tpu.memory_space<vmem>> -> memref<4x1024xf32, #tpu.memory_space<vmem>>
    tpu.enqueue_dma source(%dma_start3A_281 : memref<4x1024xf32, #tpu.memory_space<vmem>>) target(%dma_start3A_277 : memref<4x1024xf32, #tpu.memory_space<hbm>>) target_semaphore(%arg8 : memref<!tpu.dma_semaphore, #tpu.memory_space<semaphore_mem>>)
    %slice3A_282 = vector.extract_strided_slice %get3A_39 {offsets = [12], sizes = [1], strides = [1]} : vector<16xi32> to vector<1xi32>
    %squeeze3A_283 = vector.extract %slice3A_282[0] : i32 from vector<1xi32>
    %slice3A_284 = vector.extract_strided_slice %get3A_39 {offsets = [13], sizes = [1], strides = [1]} : vector<16xi32> to vector<1xi32>
    %squeeze3A_285 = vector.extract %slice3A_284[0] : i32 from vector<1xi32>
    %mul3A_286 = arith.constant 2 : i32
    %mul3A_287 = arith.muli %squeeze3A_283, %mul3A_286 : i32
    %add3A_288 = arith.addi %mul3A_287, %squeeze3A_285 : i32
    %slice3A_289 = vector.extract_strided_slice %get3A_39 {offsets = [14], sizes = [1], strides = [1]} : vector<16xi32> to vector<1xi32>
    %squeeze3A_290 = vector.extract %slice3A_289[0] : i32 from vector<1xi32>
    %mul3A_291 = arith.constant 2 : i32
    %mul3A_292 = arith.muli %add3A_288, %mul3A_291 : i32
    %add3A_293 = arith.addi %mul3A_292, %squeeze3A_290 : i32
    %slice3A_294 = vector.extract_strided_slice %get3A_39 {offsets = [15], sizes = [1], strides = [1]} : vector<16xi32> to vector<1xi32>
    %squeeze3A_295 = vector.extract %slice3A_294[0] : i32 from vector<1xi32>
    %mul3A_296 = arith.constant 2 : i32
    %mul3A_297 = arith.muli %add3A_293, %mul3A_296 : i32
    %add3A_298 = arith.addi %mul3A_297, %squeeze3A_295 : i32
    %add3A_299 = arith.constant 0 : i32
    %add3A_300 = arith.addi %mul3A_34, %add3A_299 : i32
    %add3A_301 = arith.constant 28 : i32
    %add3A_302 = arith.addi %add3A_300, %add3A_301 : i32
    %dma_start3A_303 = arith.constant 0 : i32
    %dma_start3A_304 = arith.constant 0 : i32
    %dma_start3A_305 = tpu.memref_slice %arg7[%add3A_298, %dma_start3A_303, %dma_start3A_304] : memref<16x4x1024xf32, #tpu.memory_space<vmem>> -> memref<1x4x1024xf32, #tpu.memory_space<vmem>>
    %dma_start3A_306 = tpu.memref_squeeze %dma_start3A_305 : memref<1x4x1024xf32, #tpu.memory_space<vmem>> -> memref<4x1024xf32, #tpu.memory_space<vmem>>
    %dma_start3A_307 = arith.constant 0 : i32
    %dma_start3A_308 = tpu.memref_slice %arg4[%select_n3A, %add3A_302, %dma_start3A_307] : memref<4x8192x1024xf32, #tpu.memory_space<hbm>> -> memref<1x4x1024xf32, #tpu.memory_space<hbm>>
    %dma_start3A_309 = tpu.memref_squeeze %dma_start3A_308 : memref<1x4x1024xf32, #tpu.memory_space<hbm>> -> memref<4x1024xf32, #tpu.memory_space<hbm>>
    %dma_start3A_310 = arith.constant 0 : i32
    %dma_start3A_311 = tpu.memref_slice %arg4[%select_n3A, %add3A_302, %dma_start3A_310] : memref<4x8192x1024xf32, #tpu.memory_space<hbm>> -> memref<1x4x1024xf32, #tpu.memory_space<hbm>>
    %dma_start3A_312 = tpu.memref_squeeze %dma_start3A_311 : memref<1x4x1024xf32, #tpu.memory_space<hbm>> -> memref<4x1024xf32, #tpu.memory_space<hbm>>
    %dma_start3A_313 = arith.constant 0 : i32
    %dma_start3A_314 = arith.constant 0 : i32
    %dma_start3A_315 = tpu.memref_slice %arg7[%add3A_298, %dma_start3A_313, %dma_start3A_314] : memref<16x4x1024xf32, #tpu.memory_space<vmem>> -> memref<1x4x1024xf32, #tpu.memory_space<vmem>>
    %dma_start3A_316 = tpu.memref_squeeze %dma_start3A_315 : memref<1x4x1024xf32, #tpu.memory_space<vmem>> -> memref<4x1024xf32, #tpu.memory_space<vmem>>
    tpu.enqueue_dma source(%dma_start3A_316 : memref<4x1024xf32, #tpu.memory_space<vmem>>) target(%dma_start3A_312 : memref<4x1024xf32, #tpu.memory_space<hbm>>) target_semaphore(%arg8 : memref<!tpu.dma_semaphore, #tpu.memory_space<semaphore_mem>>)
    %scan3A = arith.constant 1 : i32
    %scan3A_317 = arith.constant 31 : i32
    %scan3A_318 = arith.addi %scan3A, %scan3A_317 : i32
    %scan3A_319 = arith.constant 1 : i32
    scf.for %scan3A_432 = %scan3A to %scan3A_318 step %scan3A_319  : i32 {
      %mul3A_433 = arith.constant 32 : i32
      %mul3A_434 = arith.muli %scan3A_432, %mul3A_433 : i32
      %add3A_435 = arith.constant 0 : i32
      %add3A_436 = arith.addi %mul3A_434, %add3A_435 : i32
      %get3A_437 = arith.index_cast %add3A_436 : i32 to index
      %get3A_438 = tpu.vector_load %arg5[%get3A_437] {strides = array<i32>} : memref<1024xi32, #tpu.memory_space<vmem>>, vector<16xi32>,
      %mul3A_439 = arith.constant 32 : i32
      %mul3A_440 = arith.muli %scan3A_432, %mul3A_439 : i32
      %add3A_441 = arith.constant 16 : i32
      %add3A_442 = arith.addi %mul3A_440, %add3A_441 : i32
      %get3A_443 = arith.index_cast %add3A_442 : i32 to index
      %get3A_444 = tpu.vector_load %arg5[%get3A_443] {strides = array<i32>} : memref<1024xi32, #tpu.memory_space<vmem>>, vector<16xi32>,
      %slice3A_445 = vector.extract_strided_slice %get3A_438 {offsets = [0], sizes = [1], strides = [1]} : vector<16xi32> to vector<1xi32>
      %squeeze3A_446 = vector.extract %slice3A_445[0] : i32 from vector<1xi32>
      %slice3A_447 = vector.extract_strided_slice %get3A_438 {offsets = [1], sizes = [1], strides = [1]} : vector<16xi32> to vector<1xi32>
      %squeeze3A_448 = vector.extract %slice3A_447[0] : i32 from vector<1xi32>
      %mul3A_449 = arith.constant 2 : i32
      %mul3A_450 = arith.muli %squeeze3A_446, %mul3A_449 : i32
      %add3A_451 = arith.addi %mul3A_450, %squeeze3A_448 : i32
      %slice3A_452 = vector.extract_strided_slice %get3A_438 {offsets = [2], sizes = [1], strides = [1]} : vector<16xi32> to vector<1xi32>
      %squeeze3A_453 = vector.extract %slice3A_452[0] : i32 from vector<1xi32>
      %mul3A_454 = arith.constant 2 : i32
      %mul3A_455 = arith.muli %add3A_451, %mul3A_454 : i32
      %add3A_456 = arith.addi %mul3A_455, %squeeze3A_453 : i32
      %slice3A_457 = vector.extract_strided_slice %get3A_438 {offsets = [3], sizes = [1], strides = [1]} : vector<16xi32> to vector<1xi32>
      %squeeze3A_458 = vector.extract %slice3A_457[0] : i32 from vector<1xi32>
      %mul3A_459 = arith.constant 2 : i32
      %mul3A_460 = arith.muli %add3A_456, %mul3A_459 : i32
      %add3A_461 = arith.addi %mul3A_460, %squeeze3A_458 : i32
      %mul3A_462 = arith.constant 32 : i32
      %mul3A_463 = arith.muli %scan3A_432, %mul3A_462 : i32
      %add3A_464 = arith.addi %mul3A_34, %mul3A_463 : i32
      %add3A_465 = arith.constant 0 : i32
      %add3A_466 = arith.addi %add3A_464, %add3A_465 : i32
      %dma_start3A_467 = arith.constant 0 : i32
      %dma_start3A_468 = arith.constant 0 : i32
      %dma_start3A_469 = tpu.memref_slice %arg7[%add3A_461, %dma_start3A_467, %dma_start3A_468] : memref<16x4x1024xf32, #tpu.memory_space<vmem>> -> memref<1x4x1024xf32, #tpu.memory_space<vmem>>
      %dma_start3A_470 = tpu.memref_squeeze %dma_start3A_469 : memref<1x4x1024xf32, #tpu.memory_space<vmem>> -> memref<4x1024xf32, #tpu.memory_space<vmem>>
      %dma_start3A_471 = arith.constant 0 : i32
      %dma_start3A_472 = tpu.memref_slice %arg4[%select_n3A, %add3A_466, %dma_start3A_471] : memref<4x8192x1024xf32, #tpu.memory_space<hbm>> -> memref<1x4x1024xf32, #tpu.memory_space<hbm>>
      %dma_start3A_473 = tpu.memref_squeeze %dma_start3A_472 : memref<1x4x1024xf32, #tpu.memory_space<hbm>> -> memref<4x1024xf32, #tpu.memory_space<hbm>>
      %dma_start3A_474 = arith.constant 0 : i32
      %dma_start3A_475 = tpu.memref_slice %arg4[%select_n3A, %add3A_466, %dma_start3A_474] : memref<4x8192x1024xf32, #tpu.memory_space<hbm>> -> memref<1x4x1024xf32, #tpu.memory_space<hbm>>
      %dma_start3A_476 = tpu.memref_squeeze %dma_start3A_475 : memref<1x4x1024xf32, #tpu.memory_space<hbm>> -> memref<4x1024xf32, #tpu.memory_space<hbm>>
      %dma_start3A_477 = arith.constant 0 : i32
      %dma_start3A_478 = arith.constant 0 : i32
      %dma_start3A_479 = tpu.memref_slice %arg7[%add3A_461, %dma_start3A_477, %dma_start3A_478] : memref<16x4x1024xf32, #tpu.memory_space<vmem>> -> memref<1x4x1024xf32, #tpu.memory_space<vmem>>
      %dma_start3A_480 = tpu.memref_squeeze %dma_start3A_479 : memref<1x4x1024xf32, #tpu.memory_space<vmem>> -> memref<4x1024xf32, #tpu.memory_space<vmem>>
      tpu.enqueue_dma source(%dma_start3A_480 : memref<4x1024xf32, #tpu.memory_space<vmem>>) target(%dma_start3A_476 : memref<4x1024xf32, #tpu.memory_space<hbm>>) target_semaphore(%arg8 : memref<!tpu.dma_semaphore, #tpu.memory_space<semaphore_mem>>)
      %slice3A_481 = vector.extract_strided_slice %get3A_438 {offsets = [4], sizes = [1], strides = [1]} : vector<16xi32> to vector<1xi32>
      %squeeze3A_482 = vector.extract %slice3A_481[0] : i32 from vector<1xi32>
      %slice3A_483 = vector.extract_strided_slice %get3A_438 {offsets = [5], sizes = [1], strides = [1]} : vector<16xi32> to vector<1xi32>
      %squeeze3A_484 = vector.extract %slice3A_483[0] : i32 from vector<1xi32>
      %mul3A_485 = arith.constant 2 : i32
      %mul3A_486 = arith.muli %squeeze3A_482, %mul3A_485 : i32
      %add3A_487 = arith.addi %mul3A_486, %squeeze3A_484 : i32
      %slice3A_488 = vector.extract_strided_slice %get3A_438 {offsets = [6], sizes = [1], strides = [1]} : vector<16xi32> to vector<1xi32>
      %squeeze3A_489 = vector.extract %slice3A_488[0] : i32 from vector<1xi32>
      %mul3A_490 = arith.constant 2 : i32
      %mul3A_491 = arith.muli %add3A_487, %mul3A_490 : i32
      %add3A_492 = arith.addi %mul3A_491, %squeeze3A_489 : i32
      %slice3A_493 = vector.extract_strided_slice %get3A_438 {offsets = [7], sizes = [1], strides = [1]} : vector<16xi32> to vector<1xi32>
      %squeeze3A_494 = vector.extract %slice3A_493[0] : i32 from vector<1xi32>
      %mul3A_495 = arith.constant 2 : i32
      %mul3A_496 = arith.muli %add3A_492, %mul3A_495 : i32
      %add3A_497 = arith.addi %mul3A_496, %squeeze3A_494 : i32
      %mul3A_498 = arith.constant 32 : i32
      %mul3A_499 = arith.muli %scan3A_432, %mul3A_498 : i32
      %add3A_500 = arith.addi %mul3A_34, %mul3A_499 : i32
      %add3A_501 = arith.constant 4 : i32
      %add3A_502 = arith.addi %add3A_500, %add3A_501 : i32
      %dma_start3A_503 = arith.constant 0 : i32
      %dma_start3A_504 = arith.constant 0 : i32
      %dma_start3A_505 = tpu.memref_slice %arg7[%add3A_497, %dma_start3A_503, %dma_start3A_504] : memref<16x4x1024xf32, #tpu.memory_space<vmem>> -> memref<1x4x1024xf32, #tpu.memory_space<vmem>>
      %dma_start3A_506 = tpu.memref_squeeze %dma_start3A_505 : memref<1x4x1024xf32, #tpu.memory_space<vmem>> -> memref<4x1024xf32, #tpu.memory_space<vmem>>
      %dma_start3A_507 = arith.constant 0 : i32
      %dma_start3A_508 = tpu.memref_slice %arg4[%select_n3A, %add3A_502, %dma_start3A_507] : memref<4x8192x1024xf32, #tpu.memory_space<hbm>> -> memref<1x4x1024xf32, #tpu.memory_space<hbm>>
      %dma_start3A_509 = tpu.memref_squeeze %dma_start3A_508 : memref<1x4x1024xf32, #tpu.memory_space<hbm>> -> memref<4x1024xf32, #tpu.memory_space<hbm>>
      %dma_start3A_510 = arith.constant 0 : i32
      %dma_start3A_511 = tpu.memref_slice %arg4[%select_n3A, %add3A_502, %dma_start3A_510] : memref<4x8192x1024xf32, #tpu.memory_space<hbm>> -> memref<1x4x1024xf32, #tpu.memory_space<hbm>>
      %dma_start3A_512 = tpu.memref_squeeze %dma_start3A_511 : memref<1x4x1024xf32, #tpu.memory_space<hbm>> -> memref<4x1024xf32, #tpu.memory_space<hbm>>
      %dma_start3A_513 = arith.constant 0 : i32
      %dma_start3A_514 = arith.constant 0 : i32
      %dma_start3A_515 = tpu.memref_slice %arg7[%add3A_497, %dma_start3A_513, %dma_start3A_514] : memref<16x4x1024xf32, #tpu.memory_space<vmem>> -> memref<1x4x1024xf32, #tpu.memory_space<vmem>>
      %dma_start3A_516 = tpu.memref_squeeze %dma_start3A_515 : memref<1x4x1024xf32, #tpu.memory_space<vmem>> -> memref<4x1024xf32, #tpu.memory_space<vmem>>
      tpu.enqueue_dma source(%dma_start3A_516 : memref<4x1024xf32, #tpu.memory_space<vmem>>) target(%dma_start3A_512 : memref<4x1024xf32, #tpu.memory_space<hbm>>) target_semaphore(%arg8 : memref<!tpu.dma_semaphore, #tpu.memory_space<semaphore_mem>>)
      %slice3A_517 = vector.extract_strided_slice %get3A_438 {offsets = [8], sizes = [1], strides = [1]} : vector<16xi32> to vector<1xi32>
      %squeeze3A_518 = vector.extract %slice3A_517[0] : i32 from vector<1xi32>
      %slice3A_519 = vector.extract_strided_slice %get3A_438 {offsets = [9], sizes = [1], strides = [1]} : vector<16xi32> to vector<1xi32>
      %squeeze3A_520 = vector.extract %slice3A_519[0] : i32 from vector<1xi32>
      %mul3A_521 = arith.constant 2 : i32
      %mul3A_522 = arith.muli %squeeze3A_518, %mul3A_521 : i32
      %add3A_523 = arith.addi %mul3A_522, %squeeze3A_520 : i32
      %slice3A_524 = vector.extract_strided_slice %get3A_438 {offsets = [10], sizes = [1], strides = [1]} : vector<16xi32> to vector<1xi32>
      %squeeze3A_525 = vector.extract %slice3A_524[0] : i32 from vector<1xi32>
      %mul3A_526 = arith.constant 2 : i32
      %mul3A_527 = arith.muli %add3A_523, %mul3A_526 : i32
      %add3A_528 = arith.addi %mul3A_527, %squeeze3A_525 : i32
      %slice3A_529 = vector.extract_strided_slice %get3A_438 {offsets = [11], sizes = [1], strides = [1]} : vector<16xi32> to vector<1xi32>
      %squeeze3A_530 = vector.extract %slice3A_529[0] : i32 from vector<1xi32>
      %mul3A_531 = arith.constant 2 : i32
      %mul3A_532 = arith.muli %add3A_528, %mul3A_531 : i32
      %add3A_533 = arith.addi %mul3A_532, %squeeze3A_530 : i32
      %mul3A_534 = arith.constant 32 : i32
      %mul3A_535 = arith.muli %scan3A_432, %mul3A_534 : i32
      %add3A_536 = arith.addi %mul3A_34, %mul3A_535 : i32
      %add3A_537 = arith.constant 8 : i32
      %add3A_538 = arith.addi %add3A_536, %add3A_537 : i32
      %dma_start3A_539 = arith.constant 0 : i32
      %dma_start3A_540 = arith.constant 0 : i32
      %dma_start3A_541 = tpu.memref_slice %arg7[%add3A_533, %dma_start3A_539, %dma_start3A_540] : memref<16x4x1024xf32, #tpu.memory_space<vmem>> -> memref<1x4x1024xf32, #tpu.memory_space<vmem>>
      %dma_start3A_542 = tpu.memref_squeeze %dma_start3A_541 : memref<1x4x1024xf32, #tpu.memory_space<vmem>> -> memref<4x1024xf32, #tpu.memory_space<vmem>>
      %dma_start3A_543 = arith.constant 0 : i32
      %dma_start3A_544 = tpu.memref_slice %arg4[%select_n3A, %add3A_538, %dma_start3A_543] : memref<4x8192x1024xf32, #tpu.memory_space<hbm>> -> memref<1x4x1024xf32, #tpu.memory_space<hbm>>
      %dma_start3A_545 = tpu.memref_squeeze %dma_start3A_544 : memref<1x4x1024xf32, #tpu.memory_space<hbm>> -> memref<4x1024xf32, #tpu.memory_space<hbm>>
      %dma_start3A_546 = arith.constant 0 : i32
      %dma_start3A_547 = tpu.memref_slice %arg4[%select_n3A, %add3A_538, %dma_start3A_546] : memref<4x8192x1024xf32, #tpu.memory_space<hbm>> -> memref<1x4x1024xf32, #tpu.memory_space<hbm>>
      %dma_start3A_548 = tpu.memref_squeeze %dma_start3A_547 : memref<1x4x1024xf32, #tpu.memory_space<hbm>> -> memref<4x1024xf32, #tpu.memory_space<hbm>>
      %dma_start3A_549 = arith.constant 0 : i32
      %dma_start3A_550 = arith.constant 0 : i32
      %dma_start3A_551 = tpu.memref_slice %arg7[%add3A_533, %dma_start3A_549, %dma_start3A_550] : memref<16x4x1024xf32, #tpu.memory_space<vmem>> -> memref<1x4x1024xf32, #tpu.memory_space<vmem>>
      %dma_start3A_552 = tpu.memref_squeeze %dma_start3A_551 : memref<1x4x1024xf32, #tpu.memory_space<vmem>> -> memref<4x1024xf32, #tpu.memory_space<vmem>>
      tpu.enqueue_dma source(%dma_start3A_552 : memref<4x1024xf32, #tpu.memory_space<vmem>>) target(%dma_start3A_548 : memref<4x1024xf32, #tpu.memory_space<hbm>>) target_semaphore(%arg8 : memref<!tpu.dma_semaphore, #tpu.memory_space<semaphore_mem>>)
      %slice3A_553 = vector.extract_strided_slice %get3A_438 {offsets = [12], sizes = [1], strides = [1]} : vector<16xi32> to vector<1xi32>
      %squeeze3A_554 = vector.extract %slice3A_553[0] : i32 from vector<1xi32>
      %slice3A_555 = vector.extract_strided_slice %get3A_438 {offsets = [13], sizes = [1], strides = [1]} : vector<16xi32> to vector<1xi32>
      %squeeze3A_556 = vector.extract %slice3A_555[0] : i32 from vector<1xi32>
      %mul3A_557 = arith.constant 2 : i32
      %mul3A_558 = arith.muli %squeeze3A_554, %mul3A_557 : i32
      %add3A_559 = arith.addi %mul3A_558, %squeeze3A_556 : i32
      %slice3A_560 = vector.extract_strided_slice %get3A_438 {offsets = [14], sizes = [1], strides = [1]} : vector<16xi32> to vector<1xi32>
      %squeeze3A_561 = vector.extract %slice3A_560[0] : i32 from vector<1xi32>
      %mul3A_562 = arith.constant 2 : i32
      %mul3A_563 = arith.muli %add3A_559, %mul3A_562 : i32
      %add3A_564 = arith.addi %mul3A_563, %squeeze3A_561 : i32
      %slice3A_565 = vector.extract_strided_slice %get3A_438 {offsets = [15], sizes = [1], strides = [1]} : vector<16xi32> to vector<1xi32>
      %squeeze3A_566 = vector.extract %slice3A_565[0] : i32 from vector<1xi32>
      %mul3A_567 = arith.constant 2 : i32
      %mul3A_568 = arith.muli %add3A_564, %mul3A_567 : i32
      %add3A_569 = arith.addi %mul3A_568, %squeeze3A_566 : i32
      %mul3A_570 = arith.constant 32 : i32
      %mul3A_571 = arith.muli %scan3A_432, %mul3A_570 : i32
      %add3A_572 = arith.addi %mul3A_34, %mul3A_571 : i32
      %add3A_573 = arith.constant 12 : i32
      %add3A_574 = arith.addi %add3A_572, %add3A_573 : i32
      %dma_start3A_575 = arith.constant 0 : i32
      %dma_start3A_576 = arith.constant 0 : i32
      %dma_start3A_577 = tpu.memref_slice %arg7[%add3A_569, %dma_start3A_575, %dma_start3A_576] : memref<16x4x1024xf32, #tpu.memory_space<vmem>> -> memref<1x4x1024xf32, #tpu.memory_space<vmem>>
      %dma_start3A_578 = tpu.memref_squeeze %dma_start3A_577 : memref<1x4x1024xf32, #tpu.memory_space<vmem>> -> memref<4x1024xf32, #tpu.memory_space<vmem>>
      %dma_start3A_579 = arith.constant 0 : i32
      %dma_start3A_580 = tpu.memref_slice %arg4[%select_n3A, %add3A_574, %dma_start3A_579] : memref<4x8192x1024xf32, #tpu.memory_space<hbm>> -> memref<1x4x1024xf32, #tpu.memory_space<hbm>>
      %dma_start3A_581 = tpu.memref_squeeze %dma_start3A_580 : memref<1x4x1024xf32, #tpu.memory_space<hbm>> -> memref<4x1024xf32, #tpu.memory_space<hbm>>
      %dma_start3A_582 = arith.constant 0 : i32
      %dma_start3A_583 = tpu.memref_slice %arg4[%select_n3A, %add3A_574, %dma_start3A_582] : memref<4x8192x1024xf32, #tpu.memory_space<hbm>> -> memref<1x4x1024xf32, #tpu.memory_space<hbm>>
      %dma_start3A_584 = tpu.memref_squeeze %dma_start3A_583 : memref<1x4x1024xf32, #tpu.memory_space<hbm>> -> memref<4x1024xf32, #tpu.memory_space<hbm>>
      %dma_start3A_585 = arith.constant 0 : i32
      %dma_start3A_586 = arith.constant 0 : i32
      %dma_start3A_587 = tpu.memref_slice %arg7[%add3A_569, %dma_start3A_585, %dma_start3A_586] : memref<16x4x1024xf32, #tpu.memory_space<vmem>> -> memref<1x4x1024xf32, #tpu.memory_space<vmem>>
      %dma_start3A_588 = tpu.memref_squeeze %dma_start3A_587 : memref<1x4x1024xf32, #tpu.memory_space<vmem>> -> memref<4x1024xf32, #tpu.memory_space<vmem>>
      tpu.enqueue_dma source(%dma_start3A_588 : memref<4x1024xf32, #tpu.memory_space<vmem>>) target(%dma_start3A_584 : memref<4x1024xf32, #tpu.memory_space<hbm>>) target_semaphore(%arg8 : memref<!tpu.dma_semaphore, #tpu.memory_space<semaphore_mem>>)
      %slice3A_589 = vector.extract_strided_slice %get3A_444 {offsets = [0], sizes = [1], strides = [1]} : vector<16xi32> to vector<1xi32>
      %squeeze3A_590 = vector.extract %slice3A_589[0] : i32 from vector<1xi32>
      %slice3A_591 = vector.extract_strided_slice %get3A_444 {offsets = [1], sizes = [1], strides = [1]} : vector<16xi32> to vector<1xi32>
      %squeeze3A_592 = vector.extract %slice3A_591[0] : i32 from vector<1xi32>
      %mul3A_593 = arith.constant 2 : i32
      %mul3A_594 = arith.muli %squeeze3A_590, %mul3A_593 : i32
      %add3A_595 = arith.addi %mul3A_594, %squeeze3A_592 : i32
      %slice3A_596 = vector.extract_strided_slice %get3A_444 {offsets = [2], sizes = [1], strides = [1]} : vector<16xi32> to vector<1xi32>
      %squeeze3A_597 = vector.extract %slice3A_596[0] : i32 from vector<1xi32>
      %mul3A_598 = arith.constant 2 : i32
      %mul3A_599 = arith.muli %add3A_595, %mul3A_598 : i32
      %add3A_600 = arith.addi %mul3A_599, %squeeze3A_597 : i32
      %slice3A_601 = vector.extract_strided_slice %get3A_444 {offsets = [3], sizes = [1], strides = [1]} : vector<16xi32> to vector<1xi32>
      %squeeze3A_602 = vector.extract %slice3A_601[0] : i32 from vector<1xi32>
      %mul3A_603 = arith.constant 2 : i32
      %mul3A_604 = arith.muli %add3A_600, %mul3A_603 : i32
      %add3A_605 = arith.addi %mul3A_604, %squeeze3A_602 : i32
      %mul3A_606 = arith.constant 32 : i32
      %mul3A_607 = arith.muli %scan3A_432, %mul3A_606 : i32
      %add3A_608 = arith.addi %mul3A_34, %mul3A_607 : i32
      %add3A_609 = arith.constant 16 : i32
      %add3A_610 = arith.addi %add3A_608, %add3A_609 : i32
      %dma_start3A_611 = arith.constant 0 : i32
      %dma_start3A_612 = arith.constant 0 : i32
      %dma_start3A_613 = tpu.memref_slice %arg7[%add3A_605, %dma_start3A_611, %dma_start3A_612] : memref<16x4x1024xf32, #tpu.memory_space<vmem>> -> memref<1x4x1024xf32, #tpu.memory_space<vmem>>
      %dma_start3A_614 = tpu.memref_squeeze %dma_start3A_613 : memref<1x4x1024xf32, #tpu.memory_space<vmem>> -> memref<4x1024xf32, #tpu.memory_space<vmem>>
      %dma_start3A_615 = arith.constant 0 : i32
      %dma_start3A_616 = tpu.memref_slice %arg4[%select_n3A, %add3A_610, %dma_start3A_615] : memref<4x8192x1024xf32, #tpu.memory_space<hbm>> -> memref<1x4x1024xf32, #tpu.memory_space<hbm>>
      %dma_start3A_617 = tpu.memref_squeeze %dma_start3A_616 : memref<1x4x1024xf32, #tpu.memory_space<hbm>> -> memref<4x1024xf32, #tpu.memory_space<hbm>>
      %dma_start3A_618 = arith.constant 0 : i32
      %dma_start3A_619 = tpu.memref_slice %arg4[%select_n3A, %add3A_610, %dma_start3A_618] : memref<4x8192x1024xf32, #tpu.memory_space<hbm>> -> memref<1x4x1024xf32, #tpu.memory_space<hbm>>
      %dma_start3A_620 = tpu.memref_squeeze %dma_start3A_619 : memref<1x4x1024xf32, #tpu.memory_space<hbm>> -> memref<4x1024xf32, #tpu.memory_space<hbm>>
      %dma_start3A_621 = arith.constant 0 : i32
      %dma_start3A_622 = arith.constant 0 : i32
      %dma_start3A_623 = tpu.memref_slice %arg7[%add3A_605, %dma_start3A_621, %dma_start3A_622] : memref<16x4x1024xf32, #tpu.memory_space<vmem>> -> memref<1x4x1024xf32, #tpu.memory_space<vmem>>
      %dma_start3A_624 = tpu.memref_squeeze %dma_start3A_623 : memref<1x4x1024xf32, #tpu.memory_space<vmem>> -> memref<4x1024xf32, #tpu.memory_space<vmem>>
      tpu.enqueue_dma source(%dma_start3A_624 : memref<4x1024xf32, #tpu.memory_space<vmem>>) target(%dma_start3A_620 : memref<4x1024xf32, #tpu.memory_space<hbm>>) target_semaphore(%arg8 : memref<!tpu.dma_semaphore, #tpu.memory_space<semaphore_mem>>)
      %slice3A_625 = vector.extract_strided_slice %get3A_444 {offsets = [4], sizes = [1], strides = [1]} : vector<16xi32> to vector<1xi32>
      %squeeze3A_626 = vector.extract %slice3A_625[0] : i32 from vector<1xi32>
      %slice3A_627 = vector.extract_strided_slice %get3A_444 {offsets = [5], sizes = [1], strides = [1]} : vector<16xi32> to vector<1xi32>
      %squeeze3A_628 = vector.extract %slice3A_627[0] : i32 from vector<1xi32>
      %mul3A_629 = arith.constant 2 : i32
      %mul3A_630 = arith.muli %squeeze3A_626, %mul3A_629 : i32
      %add3A_631 = arith.addi %mul3A_630, %squeeze3A_628 : i32
      %slice3A_632 = vector.extract_strided_slice %get3A_444 {offsets = [6], sizes = [1], strides = [1]} : vector<16xi32> to vector<1xi32>
      %squeeze3A_633 = vector.extract %slice3A_632[0] : i32 from vector<1xi32>
      %mul3A_634 = arith.constant 2 : i32
      %mul3A_635 = arith.muli %add3A_631, %mul3A_634 : i32
      %add3A_636 = arith.addi %mul3A_635, %squeeze3A_633 : i32
      %slice3A_637 = vector.extract_strided_slice %get3A_444 {offsets = [7], sizes = [1], strides = [1]} : vector<16xi32> to vector<1xi32>
      %squeeze3A_638 = vector.extract %slice3A_637[0] : i32 from vector<1xi32>
      %mul3A_639 = arith.constant 2 : i32
      %mul3A_640 = arith.muli %add3A_636, %mul3A_639 : i32
      %add3A_641 = arith.addi %mul3A_640, %squeeze3A_638 : i32
      %mul3A_642 = arith.constant 32 : i32
      %mul3A_643 = arith.muli %scan3A_432, %mul3A_642 : i32
      %add3A_644 = arith.addi %mul3A_34, %mul3A_643 : i32
      %add3A_645 = arith.constant 20 : i32
      %add3A_646 = arith.addi %add3A_644, %add3A_645 : i32
      %dma_start3A_647 = arith.constant 0 : i32
      %dma_start3A_648 = arith.constant 0 : i32
      %dma_start3A_649 = tpu.memref_slice %arg7[%add3A_641, %dma_start3A_647, %dma_start3A_648] : memref<16x4x1024xf32, #tpu.memory_space<vmem>> -> memref<1x4x1024xf32, #tpu.memory_space<vmem>>
      %dma_start3A_650 = tpu.memref_squeeze %dma_start3A_649 : memref<1x4x1024xf32, #tpu.memory_space<vmem>> -> memref<4x1024xf32, #tpu.memory_space<vmem>>
      %dma_start3A_651 = arith.constant 0 : i32
      %dma_start3A_652 = tpu.memref_slice %arg4[%select_n3A, %add3A_646, %dma_start3A_651] : memref<4x8192x1024xf32, #tpu.memory_space<hbm>> -> memref<1x4x1024xf32, #tpu.memory_space<hbm>>
      %dma_start3A_653 = tpu.memref_squeeze %dma_start3A_652 : memref<1x4x1024xf32, #tpu.memory_space<hbm>> -> memref<4x1024xf32, #tpu.memory_space<hbm>>
      %dma_start3A_654 = arith.constant 0 : i32
      %dma_start3A_655 = tpu.memref_slice %arg4[%select_n3A, %add3A_646, %dma_start3A_654] : memref<4x8192x1024xf32, #tpu.memory_space<hbm>> -> memref<1x4x1024xf32, #tpu.memory_space<hbm>>
      %dma_start3A_656 = tpu.memref_squeeze %dma_start3A_655 : memref<1x4x1024xf32, #tpu.memory_space<hbm>> -> memref<4x1024xf32, #tpu.memory_space<hbm>>
      %dma_start3A_657 = arith.constant 0 : i32
      %dma_start3A_658 = arith.constant 0 : i32
      %dma_start3A_659 = tpu.memref_slice %arg7[%add3A_641, %dma_start3A_657, %dma_start3A_658] : memref<16x4x1024xf32, #tpu.memory_space<vmem>> -> memref<1x4x1024xf32, #tpu.memory_space<vmem>>
      %dma_start3A_660 = tpu.memref_squeeze %dma_start3A_659 : memref<1x4x1024xf32, #tpu.memory_space<vmem>> -> memref<4x1024xf32, #tpu.memory_space<vmem>>
      tpu.enqueue_dma source(%dma_start3A_660 : memref<4x1024xf32, #tpu.memory_space<vmem>>) target(%dma_start3A_656 : memref<4x1024xf32, #tpu.memory_space<hbm>>) target_semaphore(%arg8 : memref<!tpu.dma_semaphore, #tpu.memory_space<semaphore_mem>>)
      %slice3A_661 = vector.extract_strided_slice %get3A_444 {offsets = [8], sizes = [1], strides = [1]} : vector<16xi32> to vector<1xi32>
      %squeeze3A_662 = vector.extract %slice3A_661[0] : i32 from vector<1xi32>
      %slice3A_663 = vector.extract_strided_slice %get3A_444 {offsets = [9], sizes = [1], strides = [1]} : vector<16xi32> to vector<1xi32>
      %squeeze3A_664 = vector.extract %slice3A_663[0] : i32 from vector<1xi32>
      %mul3A_665 = arith.constant 2 : i32
      %mul3A_666 = arith.muli %squeeze3A_662, %mul3A_665 : i32
      %add3A_667 = arith.addi %mul3A_666, %squeeze3A_664 : i32
      %slice3A_668 = vector.extract_strided_slice %get3A_444 {offsets = [10], sizes = [1], strides = [1]} : vector<16xi32> to vector<1xi32>
      %squeeze3A_669 = vector.extract %slice3A_668[0] : i32 from vector<1xi32>
      %mul3A_670 = arith.constant 2 : i32
      %mul3A_671 = arith.muli %add3A_667, %mul3A_670 : i32
      %add3A_672 = arith.addi %mul3A_671, %squeeze3A_669 : i32
      %slice3A_673 = vector.extract_strided_slice %get3A_444 {offsets = [11], sizes = [1], strides = [1]} : vector<16xi32> to vector<1xi32>
      %squeeze3A_674 = vector.extract %slice3A_673[0] : i32 from vector<1xi32>
      %mul3A_675 = arith.constant 2 : i32
      %mul3A_676 = arith.muli %add3A_672, %mul3A_675 : i32
      %add3A_677 = arith.addi %mul3A_676, %squeeze3A_674 : i32
      %mul3A_678 = arith.constant 32 : i32
      %mul3A_679 = arith.muli %scan3A_432, %mul3A_678 : i32
      %add3A_680 = arith.addi %mul3A_34, %mul3A_679 : i32
      %add3A_681 = arith.constant 24 : i32
      %add3A_682 = arith.addi %add3A_680, %add3A_681 : i32
      %dma_start3A_683 = arith.constant 0 : i32
      %dma_start3A_684 = arith.constant 0 : i32
      %dma_start3A_685 = tpu.memref_slice %arg7[%add3A_677, %dma_start3A_683, %dma_start3A_684] : memref<16x4x1024xf32, #tpu.memory_space<vmem>> -> memref<1x4x1024xf32, #tpu.memory_space<vmem>>
      %dma_start3A_686 = tpu.memref_squeeze %dma_start3A_685 : memref<1x4x1024xf32, #tpu.memory_space<vmem>> -> memref<4x1024xf32, #tpu.memory_space<vmem>>
      %dma_start3A_687 = arith.constant 0 : i32
      %dma_start3A_688 = tpu.memref_slice %arg4[%select_n3A, %add3A_682, %dma_start3A_687] : memref<4x8192x1024xf32, #tpu.memory_space<hbm>> -> memref<1x4x1024xf32, #tpu.memory_space<hbm>>
      %dma_start3A_689 = tpu.memref_squeeze %dma_start3A_688 : memref<1x4x1024xf32, #tpu.memory_space<hbm>> -> memref<4x1024xf32, #tpu.memory_space<hbm>>
      %dma_start3A_690 = arith.constant 0 : i32
      %dma_start3A_691 = tpu.memref_slice %arg4[%select_n3A, %add3A_682, %dma_start3A_690] : memref<4x8192x1024xf32, #tpu.memory_space<hbm>> -> memref<1x4x1024xf32, #tpu.memory_space<hbm>>
      %dma_start3A_692 = tpu.memref_squeeze %dma_start3A_691 : memref<1x4x1024xf32, #tpu.memory_space<hbm>> -> memref<4x1024xf32, #tpu.memory_space<hbm>>
      %dma_start3A_693 = arith.constant 0 : i32
      %dma_start3A_694 = arith.constant 0 : i32
      %dma_start3A_695 = tpu.memref_slice %arg7[%add3A_677, %dma_start3A_693, %dma_start3A_694] : memref<16x4x1024xf32, #tpu.memory_space<vmem>> -> memref<1x4x1024xf32, #tpu.memory_space<vmem>>
      %dma_start3A_696 = tpu.memref_squeeze %dma_start3A_695 : memref<1x4x1024xf32, #tpu.memory_space<vmem>> -> memref<4x1024xf32, #tpu.memory_space<vmem>>
      tpu.enqueue_dma source(%dma_start3A_696 : memref<4x1024xf32, #tpu.memory_space<vmem>>) target(%dma_start3A_692 : memref<4x1024xf32, #tpu.memory_space<hbm>>) target_semaphore(%arg8 : memref<!tpu.dma_semaphore, #tpu.memory_space<semaphore_mem>>)
      %slice3A_697 = vector.extract_strided_slice %get3A_444 {offsets = [12], sizes = [1], strides = [1]} : vector<16xi32> to vector<1xi32>
      %squeeze3A_698 = vector.extract %slice3A_697[0] : i32 from vector<1xi32>
      %slice3A_699 = vector.extract_strided_slice %get3A_444 {offsets = [13], sizes = [1], strides = [1]} : vector<16xi32> to vector<1xi32>
      %squeeze3A_700 = vector.extract %slice3A_699[0] : i32 from vector<1xi32>
      %mul3A_701 = arith.constant 2 : i32
      %mul3A_702 = arith.muli %squeeze3A_698, %mul3A_701 : i32
      %add3A_703 = arith.addi %mul3A_702, %squeeze3A_700 : i32
      %slice3A_704 = vector.extract_strided_slice %get3A_444 {offsets = [14], sizes = [1], strides = [1]} : vector<16xi32> to vector<1xi32>
      %squeeze3A_705 = vector.extract %slice3A_704[0] : i32 from vector<1xi32>
      %mul3A_706 = arith.constant 2 : i32
      %mul3A_707 = arith.muli %add3A_703, %mul3A_706 : i32
      %add3A_708 = arith.addi %mul3A_707, %squeeze3A_705 : i32
      %slice3A_709 = vector.extract_strided_slice %get3A_444 {offsets = [15], sizes = [1], strides = [1]} : vector<16xi32> to vector<1xi32>
      %squeeze3A_710 = vector.extract %slice3A_709[0] : i32 from vector<1xi32>
      %mul3A_711 = arith.constant 2 : i32
      %mul3A_712 = arith.muli %add3A_708, %mul3A_711 : i32
      %add3A_713 = arith.addi %mul3A_712, %squeeze3A_710 : i32
      %mul3A_714 = arith.constant 32 : i32
      %mul3A_715 = arith.muli %scan3A_432, %mul3A_714 : i32
      %add3A_716 = arith.addi %mul3A_34, %mul3A_715 : i32
      %add3A_717 = arith.constant 28 : i32
      %add3A_718 = arith.addi %add3A_716, %add3A_717 : i32
      %dma_start3A_719 = arith.constant 0 : i32
      %dma_start3A_720 = arith.constant 0 : i32
      %dma_start3A_721 = tpu.memref_slice %arg7[%add3A_713, %dma_start3A_719, %dma_start3A_720] : memref<16x4x1024xf32, #tpu.memory_space<vmem>> -> memref<1x4x1024xf32, #tpu.memory_space<vmem>>
      %dma_start3A_722 = tpu.memref_squeeze %dma_start3A_721 : memref<1x4x1024xf32, #tpu.memory_space<vmem>> -> memref<4x1024xf32, #tpu.memory_space<vmem>>
      %dma_start3A_723 = arith.constant 0 : i32
      %dma_start3A_724 = tpu.memref_slice %arg4[%select_n3A, %add3A_718, %dma_start3A_723] : memref<4x8192x1024xf32, #tpu.memory_space<hbm>> -> memref<1x4x1024xf32, #tpu.memory_space<hbm>>
      %dma_start3A_725 = tpu.memref_squeeze %dma_start3A_724 : memref<1x4x1024xf32, #tpu.memory_space<hbm>> -> memref<4x1024xf32, #tpu.memory_space<hbm>>
      %dma_start3A_726 = arith.constant 0 : i32
      %dma_start3A_727 = tpu.memref_slice %arg4[%select_n3A, %add3A_718, %dma_start3A_726] : memref<4x8192x1024xf32, #tpu.memory_space<hbm>> -> memref<1x4x1024xf32, #tpu.memory_space<hbm>>
      %dma_start3A_728 = tpu.memref_squeeze %dma_start3A_727 : memref<1x4x1024xf32, #tpu.memory_space<hbm>> -> memref<4x1024xf32, #tpu.memory_space<hbm>>
      %dma_start3A_729 = arith.constant 0 : i32
      %dma_start3A_730 = arith.constant 0 : i32
      %dma_start3A_731 = tpu.memref_slice %arg7[%add3A_713, %dma_start3A_729, %dma_start3A_730] : memref<16x4x1024xf32, #tpu.memory_space<vmem>> -> memref<1x4x1024xf32, #tpu.memory_space<vmem>>
      %dma_start3A_732 = tpu.memref_squeeze %dma_start3A_731 : memref<1x4x1024xf32, #tpu.memory_space<vmem>> -> memref<4x1024xf32, #tpu.memory_space<vmem>>
      tpu.enqueue_dma source(%dma_start3A_732 : memref<4x1024xf32, #tpu.memory_space<vmem>>) target(%dma_start3A_728 : memref<4x1024xf32, #tpu.memory_space<hbm>>) target_semaphore(%arg8 : memref<!tpu.dma_semaphore, #tpu.memory_space<semaphore_mem>>)
      %dma_wait3A_733 = arith.constant 0 : i32
      %dma_wait3A_734 = arith.constant 0 : i32
      %dma_wait3A_735 = tpu.memref_slice %arg7[%add3A_461, %dma_wait3A_733, %dma_wait3A_734] : memref<16x4x1024xf32, #tpu.memory_space<vmem>> -> memref<1x4x1024xf32, #tpu.memory_space<vmem>>
      %dma_wait3A_736 = tpu.memref_squeeze %dma_wait3A_735 : memref<1x4x1024xf32, #tpu.memory_space<vmem>> -> memref<4x1024xf32, #tpu.memory_space<vmem>>
      %dma_wait3A_737 = arith.constant 0 : i32
      %dma_wait3A_738 = tpu.memref_slice %arg4[%select_n3A, %add3A_466, %dma_wait3A_737] : memref<4x8192x1024xf32, #tpu.memory_space<hbm>> -> memref<1x4x1024xf32, #tpu.memory_space<hbm>>
      %dma_wait3A_739 = tpu.memref_squeeze %dma_wait3A_738 : memref<1x4x1024xf32, #tpu.memory_space<hbm>> -> memref<4x1024xf32, #tpu.memory_space<hbm>>
      %dma_wait3A_740 = arith.constant 0 : i32
      %dma_wait3A_741 = tpu.memref_slice %arg4[%select_n3A, %add3A_466, %dma_wait3A_740] : memref<4x8192x1024xf32, #tpu.memory_space<hbm>> -> memref<1x4x1024xf32, #tpu.memory_space<hbm>>
      %dma_wait3A_742 = tpu.memref_squeeze %dma_wait3A_741 : memref<1x4x1024xf32, #tpu.memory_space<hbm>> -> memref<4x1024xf32, #tpu.memory_space<hbm>>
      %dma_wait3A_743 = arith.constant 0 : i32
      %dma_wait3A_744 = arith.constant 0 : i32
      %dma_wait3A_745 = tpu.memref_slice %arg7[%add3A_461, %dma_wait3A_743, %dma_wait3A_744] : memref<16x4x1024xf32, #tpu.memory_space<vmem>> -> memref<1x4x1024xf32, #tpu.memory_space<vmem>>
      %dma_wait3A_746 = tpu.memref_squeeze %dma_wait3A_745 : memref<1x4x1024xf32, #tpu.memory_space<vmem>> -> memref<4x1024xf32, #tpu.memory_space<vmem>>
      tpu.wait_dma2 semaphore(%arg8 : memref<!tpu.dma_semaphore, #tpu.memory_space<semaphore_mem>>) src(%dma_wait3A_746 : memref<4x1024xf32, #tpu.memory_space<vmem>>) dst(%dma_wait3A_742 : memref<4x1024xf32, #tpu.memory_space<hbm>>)
      %dma_wait3A_747 = arith.constant 0 : i32
      %dma_wait3A_748 = arith.constant 0 : i32
      %dma_wait3A_749 = tpu.memref_slice %arg7[%add3A_497, %dma_wait3A_747, %dma_wait3A_748] : memref<16x4x1024xf32, #tpu.memory_space<vmem>> -> memref<1x4x1024xf32, #tpu.memory_space<vmem>>
      %dma_wait3A_750 = tpu.memref_squeeze %dma_wait3A_749 : memref<1x4x1024xf32, #tpu.memory_space<vmem>> -> memref<4x1024xf32, #tpu.memory_space<vmem>>
      %dma_wait3A_751 = arith.constant 0 : i32
      %dma_wait3A_752 = tpu.memref_slice %arg4[%select_n3A, %add3A_502, %dma_wait3A_751] : memref<4x8192x1024xf32, #tpu.memory_space<hbm>> -> memref<1x4x1024xf32, #tpu.memory_space<hbm>>
      %dma_wait3A_753 = tpu.memref_squeeze %dma_wait3A_752 : memref<1x4x1024xf32, #tpu.memory_space<hbm>> -> memref<4x1024xf32, #tpu.memory_space<hbm>>
      %dma_wait3A_754 = arith.constant 0 : i32
      %dma_wait3A_755 = tpu.memref_slice %arg4[%select_n3A, %add3A_502, %dma_wait3A_754] : memref<4x8192x1024xf32, #tpu.memory_space<hbm>> -> memref<1x4x1024xf32, #tpu.memory_space<hbm>>
      %dma_wait3A_756 = tpu.memref_squeeze %dma_wait3A_755 : memref<1x4x1024xf32, #tpu.memory_space<hbm>> -> memref<4x1024xf32, #tpu.memory_space<hbm>>
      %dma_wait3A_757 = arith.constant 0 : i32
      %dma_wait3A_758 = arith.constant 0 : i32
      %dma_wait3A_759 = tpu.memref_slice %arg7[%add3A_497, %dma_wait3A_757, %dma_wait3A_758] : memref<16x4x1024xf32, #tpu.memory_space<vmem>> -> memref<1x4x1024xf32, #tpu.memory_space<vmem>>
      %dma_wait3A_760 = tpu.memref_squeeze %dma_wait3A_759 : memref<1x4x1024xf32, #tpu.memory_space<vmem>> -> memref<4x1024xf32, #tpu.memory_space<vmem>>
      tpu.wait_dma2 semaphore(%arg8 : memref<!tpu.dma_semaphore, #tpu.memory_space<semaphore_mem>>) src(%dma_wait3A_760 : memref<4x1024xf32, #tpu.memory_space<vmem>>) dst(%dma_wait3A_756 : memref<4x1024xf32, #tpu.memory_space<hbm>>)
      %dma_wait3A_761 = arith.constant 0 : i32
      %dma_wait3A_762 = arith.constant 0 : i32
      %dma_wait3A_763 = tpu.memref_slice %arg7[%add3A_533, %dma_wait3A_761, %dma_wait3A_762] : memref<16x4x1024xf32, #tpu.memory_space<vmem>> -> memref<1x4x1024xf32, #tpu.memory_space<vmem>>
      %dma_wait3A_764 = tpu.memref_squeeze %dma_wait3A_763 : memref<1x4x1024xf32, #tpu.memory_space<vmem>> -> memref<4x1024xf32, #tpu.memory_space<vmem>>
      %dma_wait3A_765 = arith.constant 0 : i32
      %dma_wait3A_766 = tpu.memref_slice %arg4[%select_n3A, %add3A_538, %dma_wait3A_765] : memref<4x8192x1024xf32, #tpu.memory_space<hbm>> -> memref<1x4x1024xf32, #tpu.memory_space<hbm>>
      %dma_wait3A_767 = tpu.memref_squeeze %dma_wait3A_766 : memref<1x4x1024xf32, #tpu.memory_space<hbm>> -> memref<4x1024xf32, #tpu.memory_space<hbm>>
      %dma_wait3A_768 = arith.constant 0 : i32
      %dma_wait3A_769 = tpu.memref_slice %arg4[%select_n3A, %add3A_538, %dma_wait3A_768] : memref<4x8192x1024xf32, #tpu.memory_space<hbm>> -> memref<1x4x1024xf32, #tpu.memory_space<hbm>>
      %dma_wait3A_770 = tpu.memref_squeeze %dma_wait3A_769 : memref<1x4x1024xf32, #tpu.memory_space<hbm>> -> memref<4x1024xf32, #tpu.memory_space<hbm>>
      %dma_wait3A_771 = arith.constant 0 : i32
      %dma_wait3A_772 = arith.constant 0 : i32
      %dma_wait3A_773 = tpu.memref_slice %arg7[%add3A_533, %dma_wait3A_771, %dma_wait3A_772] : memref<16x4x1024xf32, #tpu.memory_space<vmem>> -> memref<1x4x1024xf32, #tpu.memory_space<vmem>>
      %dma_wait3A_774 = tpu.memref_squeeze %dma_wait3A_773 : memref<1x4x1024xf32, #tpu.memory_space<vmem>> -> memref<4x1024xf32, #tpu.memory_space<vmem>>
      tpu.wait_dma2 semaphore(%arg8 : memref<!tpu.dma_semaphore, #tpu.memory_space<semaphore_mem>>) src(%dma_wait3A_774 : memref<4x1024xf32, #tpu.memory_space<vmem>>) dst(%dma_wait3A_770 : memref<4x1024xf32, #tpu.memory_space<hbm>>)
      %dma_wait3A_775 = arith.constant 0 : i32
      %dma_wait3A_776 = arith.constant 0 : i32
      %dma_wait3A_777 = tpu.memref_slice %arg7[%add3A_569, %dma_wait3A_775, %dma_wait3A_776] : memref<16x4x1024xf32, #tpu.memory_space<vmem>> -> memref<1x4x1024xf32, #tpu.memory_space<vmem>>
      %dma_wait3A_778 = tpu.memref_squeeze %dma_wait3A_777 : memref<1x4x1024xf32, #tpu.memory_space<vmem>> -> memref<4x1024xf32, #tpu.memory_space<vmem>>
      %dma_wait3A_779 = arith.constant 0 : i32
      %dma_wait3A_780 = tpu.memref_slice %arg4[%select_n3A, %add3A_574, %dma_wait3A_779] : memref<4x8192x1024xf32, #tpu.memory_space<hbm>> -> memref<1x4x1024xf32, #tpu.memory_space<hbm>>
      %dma_wait3A_781 = tpu.memref_squeeze %dma_wait3A_780 : memref<1x4x1024xf32, #tpu.memory_space<hbm>> -> memref<4x1024xf32, #tpu.memory_space<hbm>>
      %dma_wait3A_782 = arith.constant 0 : i32
      %dma_wait3A_783 = tpu.memref_slice %arg4[%select_n3A, %add3A_574, %dma_wait3A_782] : memref<4x8192x1024xf32, #tpu.memory_space<hbm>> -> memref<1x4x1024xf32, #tpu.memory_space<hbm>>
      %dma_wait3A_784 = tpu.memref_squeeze %dma_wait3A_783 : memref<1x4x1024xf32, #tpu.memory_space<hbm>> -> memref<4x1024xf32, #tpu.memory_space<hbm>>
      %dma_wait3A_785 = arith.constant 0 : i32
      %dma_wait3A_786 = arith.constant 0 : i32
      %dma_wait3A_787 = tpu.memref_slice %arg7[%add3A_569, %dma_wait3A_785, %dma_wait3A_786] : memref<16x4x1024xf32, #tpu.memory_space<vmem>> -> memref<1x4x1024xf32, #tpu.memory_space<vmem>>
      %dma_wait3A_788 = tpu.memref_squeeze %dma_wait3A_787 : memref<1x4x1024xf32, #tpu.memory_space<vmem>> -> memref<4x1024xf32, #tpu.memory_space<vmem>>
      tpu.wait_dma2 semaphore(%arg8 : memref<!tpu.dma_semaphore, #tpu.memory_space<semaphore_mem>>) src(%dma_wait3A_788 : memref<4x1024xf32, #tpu.memory_space<vmem>>) dst(%dma_wait3A_784 : memref<4x1024xf32, #tpu.memory_space<hbm>>)
      %dma_wait3A_789 = arith.constant 0 : i32
      %dma_wait3A_790 = arith.constant 0 : i32
      %dma_wait3A_791 = tpu.memref_slice %arg7[%add3A_605, %dma_wait3A_789, %dma_wait3A_790] : memref<16x4x1024xf32, #tpu.memory_space<vmem>> -> memref<1x4x1024xf32, #tpu.memory_space<vmem>>
      %dma_wait3A_792 = tpu.memref_squeeze %dma_wait3A_791 : memref<1x4x1024xf32, #tpu.memory_space<vmem>> -> memref<4x1024xf32, #tpu.memory_space<vmem>>
      %dma_wait3A_793 = arith.constant 0 : i32
      %dma_wait3A_794 = tpu.memref_slice %arg4[%select_n3A, %add3A_610, %dma_wait3A_793] : memref<4x8192x1024xf32, #tpu.memory_space<hbm>> -> memref<1x4x1024xf32, #tpu.memory_space<hbm>>
      %dma_wait3A_795 = tpu.memref_squeeze %dma_wait3A_794 : memref<1x4x1024xf32, #tpu.memory_space<hbm>> -> memref<4x1024xf32, #tpu.memory_space<hbm>>
      %dma_wait3A_796 = arith.constant 0 : i32
      %dma_wait3A_797 = tpu.memref_slice %arg4[%select_n3A, %add3A_610, %dma_wait3A_796] : memref<4x8192x1024xf32, #tpu.memory_space<hbm>> -> memref<1x4x1024xf32, #tpu.memory_space<hbm>>
      %dma_wait3A_798 = tpu.memref_squeeze %dma_wait3A_797 : memref<1x4x1024xf32, #tpu.memory_space<hbm>> -> memref<4x1024xf32, #tpu.memory_space<hbm>>
      %dma_wait3A_799 = arith.constant 0 : i32
      %dma_wait3A_800 = arith.constant 0 : i32
      %dma_wait3A_801 = tpu.memref_slice %arg7[%add3A_605, %dma_wait3A_799, %dma_wait3A_800] : memref<16x4x1024xf32, #tpu.memory_space<vmem>> -> memref<1x4x1024xf32, #tpu.memory_space<vmem>>
      %dma_wait3A_802 = tpu.memref_squeeze %dma_wait3A_801 : memref<1x4x1024xf32, #tpu.memory_space<vmem>> -> memref<4x1024xf32, #tpu.memory_space<vmem>>
      tpu.wait_dma2 semaphore(%arg8 : memref<!tpu.dma_semaphore, #tpu.memory_space<semaphore_mem>>) src(%dma_wait3A_802 : memref<4x1024xf32, #tpu.memory_space<vmem>>) dst(%dma_wait3A_798 : memref<4x1024xf32, #tpu.memory_space<hbm>>)
      %dma_wait3A_803 = arith.constant 0 : i32
      %dma_wait3A_804 = arith.constant 0 : i32
      %dma_wait3A_805 = tpu.memref_slice %arg7[%add3A_641, %dma_wait3A_803, %dma_wait3A_804] : memref<16x4x1024xf32, #tpu.memory_space<vmem>> -> memref<1x4x1024xf32, #tpu.memory_space<vmem>>
      %dma_wait3A_806 = tpu.memref_squeeze %dma_wait3A_805 : memref<1x4x1024xf32, #tpu.memory_space<vmem>> -> memref<4x1024xf32, #tpu.memory_space<vmem>>
      %dma_wait3A_807 = arith.constant 0 : i32
      %dma_wait3A_808 = tpu.memref_slice %arg4[%select_n3A, %add3A_646, %dma_wait3A_807] : memref<4x8192x1024xf32, #tpu.memory_space<hbm>> -> memref<1x4x1024xf32, #tpu.memory_space<hbm>>
      %dma_wait3A_809 = tpu.memref_squeeze %dma_wait3A_808 : memref<1x4x1024xf32, #tpu.memory_space<hbm>> -> memref<4x1024xf32, #tpu.memory_space<hbm>>
      %dma_wait3A_810 = arith.constant 0 : i32
      %dma_wait3A_811 = tpu.memref_slice %arg4[%select_n3A, %add3A_646, %dma_wait3A_810] : memref<4x8192x1024xf32, #tpu.memory_space<hbm>> -> memref<1x4x1024xf32, #tpu.memory_space<hbm>>
      %dma_wait3A_812 = tpu.memref_squeeze %dma_wait3A_811 : memref<1x4x1024xf32, #tpu.memory_space<hbm>> -> memref<4x1024xf32, #tpu.memory_space<hbm>>
      %dma_wait3A_813 = arith.constant 0 : i32
      %dma_wait3A_814 = arith.constant 0 : i32
      %dma_wait3A_815 = tpu.memref_slice %arg7[%add3A_641, %dma_wait3A_813, %dma_wait3A_814] : memref<16x4x1024xf32, #tpu.memory_space<vmem>> -> memref<1x4x1024xf32, #tpu.memory_space<vmem>>
      %dma_wait3A_816 = tpu.memref_squeeze %dma_wait3A_815 : memref<1x4x1024xf32, #tpu.memory_space<vmem>> -> memref<4x1024xf32, #tpu.memory_space<vmem>>
      tpu.wait_dma2 semaphore(%arg8 : memref<!tpu.dma_semaphore, #tpu.memory_space<semaphore_mem>>) src(%dma_wait3A_816 : memref<4x1024xf32, #tpu.memory_space<vmem>>) dst(%dma_wait3A_812 : memref<4x1024xf32, #tpu.memory_space<hbm>>)
      %dma_wait3A_817 = arith.constant 0 : i32
      %dma_wait3A_818 = arith.constant 0 : i32
      %dma_wait3A_819 = tpu.memref_slice %arg7[%add3A_677, %dma_wait3A_817, %dma_wait3A_818] : memref<16x4x1024xf32, #tpu.memory_space<vmem>> -> memref<1x4x1024xf32, #tpu.memory_space<vmem>>
      %dma_wait3A_820 = tpu.memref_squeeze %dma_wait3A_819 : memref<1x4x1024xf32, #tpu.memory_space<vmem>> -> memref<4x1024xf32, #tpu.memory_space<vmem>>
      %dma_wait3A_821 = arith.constant 0 : i32
      %dma_wait3A_822 = tpu.memref_slice %arg4[%select_n3A, %add3A_682, %dma_wait3A_821] : memref<4x8192x1024xf32, #tpu.memory_space<hbm>> -> memref<1x4x1024xf32, #tpu.memory_space<hbm>>
      %dma_wait3A_823 = tpu.memref_squeeze %dma_wait3A_822 : memref<1x4x1024xf32, #tpu.memory_space<hbm>> -> memref<4x1024xf32, #tpu.memory_space<hbm>>
      %dma_wait3A_824 = arith.constant 0 : i32
      %dma_wait3A_825 = tpu.memref_slice %arg4[%select_n3A, %add3A_682, %dma_wait3A_824] : memref<4x8192x1024xf32, #tpu.memory_space<hbm>> -> memref<1x4x1024xf32, #tpu.memory_space<hbm>>
      %dma_wait3A_826 = tpu.memref_squeeze %dma_wait3A_825 : memref<1x4x1024xf32, #tpu.memory_space<hbm>> -> memref<4x1024xf32, #tpu.memory_space<hbm>>
      %dma_wait3A_827 = arith.constant 0 : i32
      %dma_wait3A_828 = arith.constant 0 : i32
      %dma_wait3A_829 = tpu.memref_slice %arg7[%add3A_677, %dma_wait3A_827, %dma_wait3A_828] : memref<16x4x1024xf32, #tpu.memory_space<vmem>> -> memref<1x4x1024xf32, #tpu.memory_space<vmem>>
      %dma_wait3A_830 = tpu.memref_squeeze %dma_wait3A_829 : memref<1x4x1024xf32, #tpu.memory_space<vmem>> -> memref<4x1024xf32, #tpu.memory_space<vmem>>
      tpu.wait_dma2 semaphore(%arg8 : memref<!tpu.dma_semaphore, #tpu.memory_space<semaphore_mem>>) src(%dma_wait3A_830 : memref<4x1024xf32, #tpu.memory_space<vmem>>) dst(%dma_wait3A_826 : memref<4x1024xf32, #tpu.memory_space<hbm>>)
      %dma_wait3A_831 = arith.constant 0 : i32
      %dma_wait3A_832 = arith.constant 0 : i32
      %dma_wait3A_833 = tpu.memref_slice %arg7[%add3A_713, %dma_wait3A_831, %dma_wait3A_832] : memref<16x4x1024xf32, #tpu.memory_space<vmem>> -> memref<1x4x1024xf32, #tpu.memory_space<vmem>>
      %dma_wait3A_834 = tpu.memref_squeeze %dma_wait3A_833 : memref<1x4x1024xf32, #tpu.memory_space<vmem>> -> memref<4x1024xf32, #tpu.memory_space<vmem>>
      %dma_wait3A_835 = arith.constant 0 : i32
      %dma_wait3A_836 = tpu.memref_slice %arg4[%select_n3A, %add3A_718, %dma_wait3A_835] : memref<4x8192x1024xf32, #tpu.memory_space<hbm>> -> memref<1x4x1024xf32, #tpu.memory_space<hbm>>
      %dma_wait3A_837 = tpu.memref_squeeze %dma_wait3A_836 : memref<1x4x1024xf32, #tpu.memory_space<hbm>> -> memref<4x1024xf32, #tpu.memory_space<hbm>>
      %dma_wait3A_838 = arith.constant 0 : i32
      %dma_wait3A_839 = tpu.memref_slice %arg4[%select_n3A, %add3A_718, %dma_wait3A_838] : memref<4x8192x1024xf32, #tpu.memory_space<hbm>> -> memref<1x4x1024xf32, #tpu.memory_space<hbm>>
      %dma_wait3A_840 = tpu.memref_squeeze %dma_wait3A_839 : memref<1x4x1024xf32, #tpu.memory_space<hbm>> -> memref<4x1024xf32, #tpu.memory_space<hbm>>
      %dma_wait3A_841 = arith.constant 0 : i32
      %dma_wait3A_842 = arith.constant 0 : i32
      %dma_wait3A_843 = tpu.memref_slice %arg7[%add3A_713, %dma_wait3A_841, %dma_wait3A_842] : memref<16x4x1024xf32, #tpu.memory_space<vmem>> -> memref<1x4x1024xf32, #tpu.memory_space<vmem>>
      %dma_wait3A_844 = tpu.memref_squeeze %dma_wait3A_843 : memref<1x4x1024xf32, #tpu.memory_space<vmem>> -> memref<4x1024xf32, #tpu.memory_space<vmem>>
      tpu.wait_dma2 semaphore(%arg8 : memref<!tpu.dma_semaphore, #tpu.memory_space<semaphore_mem>>) src(%dma_wait3A_844 : memref<4x1024xf32, #tpu.memory_space<vmem>>) dst(%dma_wait3A_840 : memref<4x1024xf32, #tpu.memory_space<hbm>>)
    }
    %scan3A_320 = arith.constant 31 : i32
    %dma_wait3A = arith.constant 0 : i32
    %dma_wait3A_321 = arith.constant 0 : i32
    %dma_wait3A_322 = tpu.memref_slice %arg7[%add3A_54, %dma_wait3A, %dma_wait3A_321] : memref<16x4x1024xf32, #tpu.memory_space<vmem>> -> memref<1x4x1024xf32, #tpu.memory_space<vmem>>
    %dma_wait3A_323 = tpu.memref_squeeze %dma_wait3A_322 : memref<1x4x1024xf32, #tpu.memory_space<vmem>> -> memref<4x1024xf32, #tpu.memory_space<vmem>>
    %dma_wait3A_324 = arith.constant 0 : i32
    %dma_wait3A_325 = tpu.memref_slice %arg4[%select_n3A, %add3A_58, %dma_wait3A_324] : memref<4x8192x1024xf32, #tpu.memory_space<hbm>> -> memref<1x4x1024xf32, #tpu.memory_space<hbm>>
    %dma_wait3A_326 = tpu.memref_squeeze %dma_wait3A_325 : memref<1x4x1024xf32, #tpu.memory_space<hbm>> -> memref<4x1024xf32, #tpu.memory_space<hbm>>
    %dma_wait3A_327 = arith.constant 0 : i32
    %dma_wait3A_328 = tpu.memref_slice %arg4[%select_n3A, %add3A_58, %dma_wait3A_327] : memref<4x8192x1024xf32, #tpu.memory_space<hbm>> -> memref<1x4x1024xf32, #tpu.memory_space<hbm>>
    %dma_wait3A_329 = tpu.memref_squeeze %dma_wait3A_328 : memref<1x4x1024xf32, #tpu.memory_space<hbm>> -> memref<4x1024xf32, #tpu.memory_space<hbm>>
    %dma_wait3A_330 = arith.constant 0 : i32
    %dma_wait3A_331 = arith.constant 0 : i32
    %dma_wait3A_332 = tpu.memref_slice %arg7[%add3A_54, %dma_wait3A_330, %dma_wait3A_331] : memref<16x4x1024xf32, #tpu.memory_space<vmem>> -> memref<1x4x1024xf32, #tpu.memory_space<vmem>>
    %dma_wait3A_333 = tpu.memref_squeeze %dma_wait3A_332 : memref<1x4x1024xf32, #tpu.memory_space<vmem>> -> memref<4x1024xf32, #tpu.memory_space<vmem>>
    tpu.wait_dma2 semaphore(%arg8 : memref<!tpu.dma_semaphore, #tpu.memory_space<semaphore_mem>>) src(%dma_wait3A_333 : memref<4x1024xf32, #tpu.memory_space<vmem>>) dst(%dma_wait3A_329 : memref<4x1024xf32, #tpu.memory_space<hbm>>)
    %dma_wait3A_334 = arith.constant 0 : i32
    %dma_wait3A_335 = arith.constant 0 : i32
    %dma_wait3A_336 = tpu.memref_slice %arg7[%add3A_88, %dma_wait3A_334, %dma_wait3A_335] : memref<16x4x1024xf32, #tpu.memory_space<vmem>> -> memref<1x4x1024xf32, #tpu.memory_space<vmem>>
    %dma_wait3A_337 = tpu.memref_squeeze %dma_wait3A_336 : memref<1x4x1024xf32, #tpu.memory_space<vmem>> -> memref<4x1024xf32, #tpu.memory_space<vmem>>
    %dma_wait3A_338 = arith.constant 0 : i32
    %dma_wait3A_339 = tpu.memref_slice %arg4[%select_n3A, %add3A_92, %dma_wait3A_338] : memref<4x8192x1024xf32, #tpu.memory_space<hbm>> -> memref<1x4x1024xf32, #tpu.memory_space<hbm>>
    %dma_wait3A_340 = tpu.memref_squeeze %dma_wait3A_339 : memref<1x4x1024xf32, #tpu.memory_space<hbm>> -> memref<4x1024xf32, #tpu.memory_space<hbm>>
    %dma_wait3A_341 = arith.constant 0 : i32
    %dma_wait3A_342 = tpu.memref_slice %arg4[%select_n3A, %add3A_92, %dma_wait3A_341] : memref<4x8192x1024xf32, #tpu.memory_space<hbm>> -> memref<1x4x1024xf32, #tpu.memory_space<hbm>>
    %dma_wait3A_343 = tpu.memref_squeeze %dma_wait3A_342 : memref<1x4x1024xf32, #tpu.memory_space<hbm>> -> memref<4x1024xf32, #tpu.memory_space<hbm>>
    %dma_wait3A_344 = arith.constant 0 : i32
    %dma_wait3A_345 = arith.constant 0 : i32
    %dma_wait3A_346 = tpu.memref_slice %arg7[%add3A_88, %dma_wait3A_344, %dma_wait3A_345] : memref<16x4x1024xf32, #tpu.memory_space<vmem>> -> memref<1x4x1024xf32, #tpu.memory_space<vmem>>
    %dma_wait3A_347 = tpu.memref_squeeze %dma_wait3A_346 : memref<1x4x1024xf32, #tpu.memory_space<vmem>> -> memref<4x1024xf32, #tpu.memory_space<vmem>>
    tpu.wait_dma2 semaphore(%arg8 : memref<!tpu.dma_semaphore, #tpu.memory_space<semaphore_mem>>) src(%dma_wait3A_347 : memref<4x1024xf32, #tpu.memory_space<vmem>>) dst(%dma_wait3A_343 : memref<4x1024xf32, #tpu.memory_space<hbm>>)
    %dma_wait3A_348 = arith.constant 0 : i32
    %dma_wait3A_349 = arith.constant 0 : i32
    %dma_wait3A_350 = tpu.memref_slice %arg7[%add3A_123, %dma_wait3A_348, %dma_wait3A_349] : memref<16x4x1024xf32, #tpu.memory_space<vmem>> -> memref<1x4x1024xf32, #tpu.memory_space<vmem>>
    %dma_wait3A_351 = tpu.memref_squeeze %dma_wait3A_350 : memref<1x4x1024xf32, #tpu.memory_space<vmem>> -> memref<4x1024xf32, #tpu.memory_space<vmem>>
    %dma_wait3A_352 = arith.constant 0 : i32
    %dma_wait3A_353 = tpu.memref_slice %arg4[%select_n3A, %add3A_127, %dma_wait3A_352] : memref<4x8192x1024xf32, #tpu.memory_space<hbm>> -> memref<1x4x1024xf32, #tpu.memory_space<hbm>>
    %dma_wait3A_354 = tpu.memref_squeeze %dma_wait3A_353 : memref<1x4x1024xf32, #tpu.memory_space<hbm>> -> memref<4x1024xf32, #tpu.memory_space<hbm>>
    %dma_wait3A_355 = arith.constant 0 : i32
    %dma_wait3A_356 = tpu.memref_slice %arg4[%select_n3A, %add3A_127, %dma_wait3A_355] : memref<4x8192x1024xf32, #tpu.memory_space<hbm>> -> memref<1x4x1024xf32, #tpu.memory_space<hbm>>
    %dma_wait3A_357 = tpu.memref_squeeze %dma_wait3A_356 : memref<1x4x1024xf32, #tpu.memory_space<hbm>> -> memref<4x1024xf32, #tpu.memory_space<hbm>>
    %dma_wait3A_358 = arith.constant 0 : i32
    %dma_wait3A_359 = arith.constant 0 : i32
    %dma_wait3A_360 = tpu.memref_slice %arg7[%add3A_123, %dma_wait3A_358, %dma_wait3A_359] : memref<16x4x1024xf32, #tpu.memory_space<vmem>> -> memref<1x4x1024xf32, #tpu.memory_space<vmem>>
    %dma_wait3A_361 = tpu.memref_squeeze %dma_wait3A_360 : memref<1x4x1024xf32, #tpu.memory_space<vmem>> -> memref<4x1024xf32, #tpu.memory_space<vmem>>
    tpu.wait_dma2 semaphore(%arg8 : memref<!tpu.dma_semaphore, #tpu.memory_space<semaphore_mem>>) src(%dma_wait3A_361 : memref<4x1024xf32, #tpu.memory_space<vmem>>) dst(%dma_wait3A_357 : memref<4x1024xf32, #tpu.memory_space<hbm>>)
    %dma_wait3A_362 = arith.constant 0 : i32
    %dma_wait3A_363 = arith.constant 0 : i32
    %dma_wait3A_364 = tpu.memref_slice %arg7[%add3A_158, %dma_wait3A_362, %dma_wait3A_363] : memref<16x4x1024xf32, #tpu.memory_space<vmem>> -> memref<1x4x1024xf32, #tpu.memory_space<vmem>>
    %dma_wait3A_365 = tpu.memref_squeeze %dma_wait3A_364 : memref<1x4x1024xf32, #tpu.memory_space<vmem>> -> memref<4x1024xf32, #tpu.memory_space<vmem>>
    %dma_wait3A_366 = arith.constant 0 : i32
    %dma_wait3A_367 = tpu.memref_slice %arg4[%select_n3A, %add3A_162, %dma_wait3A_366] : memref<4x8192x1024xf32, #tpu.memory_space<hbm>> -> memref<1x4x1024xf32, #tpu.memory_space<hbm>>
    %dma_wait3A_368 = tpu.memref_squeeze %dma_wait3A_367 : memref<1x4x1024xf32, #tpu.memory_space<hbm>> -> memref<4x1024xf32, #tpu.memory_space<hbm>>
    %dma_wait3A_369 = arith.constant 0 : i32
    %dma_wait3A_370 = tpu.memref_slice %arg4[%select_n3A, %add3A_162, %dma_wait3A_369] : memref<4x8192x1024xf32, #tpu.memory_space<hbm>> -> memref<1x4x1024xf32, #tpu.memory_space<hbm>>
    %dma_wait3A_371 = tpu.memref_squeeze %dma_wait3A_370 : memref<1x4x1024xf32, #tpu.memory_space<hbm>> -> memref<4x1024xf32, #tpu.memory_space<hbm>>
    %dma_wait3A_372 = arith.constant 0 : i32
    %dma_wait3A_373 = arith.constant 0 : i32
    %dma_wait3A_374 = tpu.memref_slice %arg7[%add3A_158, %dma_wait3A_372, %dma_wait3A_373] : memref<16x4x1024xf32, #tpu.memory_space<vmem>> -> memref<1x4x1024xf32, #tpu.memory_space<vmem>>
    %dma_wait3A_375 = tpu.memref_squeeze %dma_wait3A_374 : memref<1x4x1024xf32, #tpu.memory_space<vmem>> -> memref<4x1024xf32, #tpu.memory_space<vmem>>
    tpu.wait_dma2 semaphore(%arg8 : memref<!tpu.dma_semaphore, #tpu.memory_space<semaphore_mem>>) src(%dma_wait3A_375 : memref<4x1024xf32, #tpu.memory_space<vmem>>) dst(%dma_wait3A_371 : memref<4x1024xf32, #tpu.memory_space<hbm>>)
    %dma_wait3A_376 = arith.constant 0 : i32
    %dma_wait3A_377 = arith.constant 0 : i32
    %dma_wait3A_378 = tpu.memref_slice %arg7[%add3A_193, %dma_wait3A_376, %dma_wait3A_377] : memref<16x4x1024xf32, #tpu.memory_space<vmem>> -> memref<1x4x1024xf32, #tpu.memory_space<vmem>>
    %dma_wait3A_379 = tpu.memref_squeeze %dma_wait3A_378 : memref<1x4x1024xf32, #tpu.memory_space<vmem>> -> memref<4x1024xf32, #tpu.memory_space<vmem>>
    %dma_wait3A_380 = arith.constant 0 : i32
    %dma_wait3A_381 = tpu.memref_slice %arg4[%select_n3A, %add3A_197, %dma_wait3A_380] : memref<4x8192x1024xf32, #tpu.memory_space<hbm>> -> memref<1x4x1024xf32, #tpu.memory_space<hbm>>
    %dma_wait3A_382 = tpu.memref_squeeze %dma_wait3A_381 : memref<1x4x1024xf32, #tpu.memory_space<hbm>> -> memref<4x1024xf32, #tpu.memory_space<hbm>>
    %dma_wait3A_383 = arith.constant 0 : i32
    %dma_wait3A_384 = tpu.memref_slice %arg4[%select_n3A, %add3A_197, %dma_wait3A_383] : memref<4x8192x1024xf32, #tpu.memory_space<hbm>> -> memref<1x4x1024xf32, #tpu.memory_space<hbm>>
    %dma_wait3A_385 = tpu.memref_squeeze %dma_wait3A_384 : memref<1x4x1024xf32, #tpu.memory_space<hbm>> -> memref<4x1024xf32, #tpu.memory_space<hbm>>
    %dma_wait3A_386 = arith.constant 0 : i32
    %dma_wait3A_387 = arith.constant 0 : i32
    %dma_wait3A_388 = tpu.memref_slice %arg7[%add3A_193, %dma_wait3A_386, %dma_wait3A_387] : memref<16x4x1024xf32, #tpu.memory_space<vmem>> -> memref<1x4x1024xf32, #tpu.memory_space<vmem>>
    %dma_wait3A_389 = tpu.memref_squeeze %dma_wait3A_388 : memref<1x4x1024xf32, #tpu.memory_space<vmem>> -> memref<4x1024xf32, #tpu.memory_space<vmem>>
    tpu.wait_dma2 semaphore(%arg8 : memref<!tpu.dma_semaphore, #tpu.memory_space<semaphore_mem>>) src(%dma_wait3A_389 : memref<4x1024xf32, #tpu.memory_space<vmem>>) dst(%dma_wait3A_385 : memref<4x1024xf32, #tpu.memory_space<hbm>>)
    %dma_wait3A_390 = arith.constant 0 : i32
    %dma_wait3A_391 = arith.constant 0 : i32
    %dma_wait3A_392 = tpu.memref_slice %arg7[%add3A_228, %dma_wait3A_390, %dma_wait3A_391] : memref<16x4x1024xf32, #tpu.memory_space<vmem>> -> memref<1x4x1024xf32, #tpu.memory_space<vmem>>
    %dma_wait3A_393 = tpu.memref_squeeze %dma_wait3A_392 : memref<1x4x1024xf32, #tpu.memory_space<vmem>> -> memref<4x1024xf32, #tpu.memory_space<vmem>>
    %dma_wait3A_394 = arith.constant 0 : i32
    %dma_wait3A_395 = tpu.memref_slice %arg4[%select_n3A, %add3A_232, %dma_wait3A_394] : memref<4x8192x1024xf32, #tpu.memory_space<hbm>> -> memref<1x4x1024xf32, #tpu.memory_space<hbm>>
    %dma_wait3A_396 = tpu.memref_squeeze %dma_wait3A_395 : memref<1x4x1024xf32, #tpu.memory_space<hbm>> -> memref<4x1024xf32, #tpu.memory_space<hbm>>
    %dma_wait3A_397 = arith.constant 0 : i32
    %dma_wait3A_398 = tpu.memref_slice %arg4[%select_n3A, %add3A_232, %dma_wait3A_397] : memref<4x8192x1024xf32, #tpu.memory_space<hbm>> -> memref<1x4x1024xf32, #tpu.memory_space<hbm>>
    %dma_wait3A_399 = tpu.memref_squeeze %dma_wait3A_398 : memref<1x4x1024xf32, #tpu.memory_space<hbm>> -> memref<4x1024xf32, #tpu.memory_space<hbm>>
    %dma_wait3A_400 = arith.constant 0 : i32
    %dma_wait3A_401 = arith.constant 0 : i32
    %dma_wait3A_402 = tpu.memref_slice %arg7[%add3A_228, %dma_wait3A_400, %dma_wait3A_401] : memref<16x4x1024xf32, #tpu.memory_space<vmem>> -> memref<1x4x1024xf32, #tpu.memory_space<vmem>>
    %dma_wait3A_403 = tpu.memref_squeeze %dma_wait3A_402 : memref<1x4x1024xf32, #tpu.memory_space<vmem>> -> memref<4x1024xf32, #tpu.memory_space<vmem>>
    tpu.wait_dma2 semaphore(%arg8 : memref<!tpu.dma_semaphore, #tpu.memory_space<semaphore_mem>>) src(%dma_wait3A_403 : memref<4x1024xf32, #tpu.memory_space<vmem>>) dst(%dma_wait3A_399 : memref<4x1024xf32, #tpu.memory_space<hbm>>)
    %dma_wait3A_404 = arith.constant 0 : i32
    %dma_wait3A_405 = arith.constant 0 : i32
    %dma_wait3A_406 = tpu.memref_slice %arg7[%add3A_263, %dma_wait3A_404, %dma_wait3A_405] : memref<16x4x1024xf32, #tpu.memory_space<vmem>> -> memref<1x4x1024xf32, #tpu.memory_space<vmem>>
    %dma_wait3A_407 = tpu.memref_squeeze %dma_wait3A_406 : memref<1x4x1024xf32, #tpu.memory_space<vmem>> -> memref<4x1024xf32, #tpu.memory_space<vmem>>
    %dma_wait3A_408 = arith.constant 0 : i32
    %dma_wait3A_409 = tpu.memref_slice %arg4[%select_n3A, %add3A_267, %dma_wait3A_408] : memref<4x8192x1024xf32, #tpu.memory_space<hbm>> -> memref<1x4x1024xf32, #tpu.memory_space<hbm>>
    %dma_wait3A_410 = tpu.memref_squeeze %dma_wait3A_409 : memref<1x4x1024xf32, #tpu.memory_space<hbm>> -> memref<4x1024xf32, #tpu.memory_space<hbm>>
    %dma_wait3A_411 = arith.constant 0 : i32
    %dma_wait3A_412 = tpu.memref_slice %arg4[%select_n3A, %add3A_267, %dma_wait3A_411] : memref<4x8192x1024xf32, #tpu.memory_space<hbm>> -> memref<1x4x1024xf32, #tpu.memory_space<hbm>>
    %dma_wait3A_413 = tpu.memref_squeeze %dma_wait3A_412 : memref<1x4x1024xf32, #tpu.memory_space<hbm>> -> memref<4x1024xf32, #tpu.memory_space<hbm>>
    %dma_wait3A_414 = arith.constant 0 : i32
    %dma_wait3A_415 = arith.constant 0 : i32
    %dma_wait3A_416 = tpu.memref_slice %arg7[%add3A_263, %dma_wait3A_414, %dma_wait3A_415] : memref<16x4x1024xf32, #tpu.memory_space<vmem>> -> memref<1x4x1024xf32, #tpu.memory_space<vmem>>
    %dma_wait3A_417 = tpu.memref_squeeze %dma_wait3A_416 : memref<1x4x1024xf32, #tpu.memory_space<vmem>> -> memref<4x1024xf32, #tpu.memory_space<vmem>>
    tpu.wait_dma2 semaphore(%arg8 : memref<!tpu.dma_semaphore, #tpu.memory_space<semaphore_mem>>) src(%dma_wait3A_417 : memref<4x1024xf32, #tpu.memory_space<vmem>>) dst(%dma_wait3A_413 : memref<4x1024xf32, #tpu.memory_space<hbm>>)
    %dma_wait3A_418 = arith.constant 0 : i32
    %dma_wait3A_419 = arith.constant 0 : i32
    %dma_wait3A_420 = tpu.memref_slice %arg7[%add3A_298, %dma_wait3A_418, %dma_wait3A_419] : memref<16x4x1024xf32, #tpu.memory_space<vmem>> -> memref<1x4x1024xf32, #tpu.memory_space<vmem>>
    %dma_wait3A_421 = tpu.memref_squeeze %dma_wait3A_420 : memref<1x4x1024xf32, #tpu.memory_space<vmem>> -> memref<4x1024xf32, #tpu.memory_space<vmem>>
    %dma_wait3A_422 = arith.constant 0 : i32
    %dma_wait3A_423 = tpu.memref_slice %arg4[%select_n3A, %add3A_302, %dma_wait3A_422] : memref<4x8192x1024xf32, #tpu.memory_space<hbm>> -> memref<1x4x1024xf32, #tpu.memory_space<hbm>>
    %dma_wait3A_424 = tpu.memref_squeeze %dma_wait3A_423 : memref<1x4x1024xf32, #tpu.memory_space<hbm>> -> memref<4x1024xf32, #tpu.memory_space<hbm>>
    %dma_wait3A_425 = arith.constant 0 : i32
    %dma_wait3A_426 = tpu.memref_slice %arg4[%select_n3A, %add3A_302, %dma_wait3A_425] : memref<4x8192x1024xf32, #tpu.memory_space<hbm>> -> memref<1x4x1024xf32, #tpu.memory_space<hbm>>
    %dma_wait3A_427 = tpu.memref_squeeze %dma_wait3A_426 : memref<1x4x1024xf32, #tpu.memory_space<hbm>> -> memref<4x1024xf32, #tpu.memory_space<hbm>>
    %dma_wait3A_428 = arith.constant 0 : i32
    %dma_wait3A_429 = arith.constant 0 : i32
    %dma_wait3A_430 = tpu.memref_slice %arg7[%add3A_298, %dma_wait3A_428, %dma_wait3A_429] : memref<16x4x1024xf32, #tpu.memory_space<vmem>> -> memref<1x4x1024xf32, #tpu.memory_space<vmem>>
    %dma_wait3A_431 = tpu.memref_squeeze %dma_wait3A_430 : memref<1x4x1024xf32, #tpu.memory_space<vmem>> -> memref<4x1024xf32, #tpu.memory_space<vmem>>
    tpu.wait_dma2 semaphore(%arg8 : memref<!tpu.dma_semaphore, #tpu.memory_space<semaphore_mem>>) src(%dma_wait3A_431 : memref<4x1024xf32, #tpu.memory_space<vmem>>) dst(%dma_wait3A_427 : memref<4x1024xf32, #tpu.memory_space<hbm>>)
    return
  }
}

</mosaic_0001>

<sc_bundles>
// kernel: kernel.3.cloned.1.call-start
scs
__scs_entry_jumppad:
0x0: {  	(pc) =	sbr.rel $0x88, $3  }
0x1: {  	(tag) =	ssettag $0x0;
	lr =	simm.s32 $0x1  }
0x2: {  	[smem:$0x3F9F] =	sst lr;
	_ =	strace $0xD0000000  }
0x3: {  	_ = 	snop  }
0x4: {  	_ = 	snop  }
0x5: {  	_ = 	snop  }
0x6: {  	_ = 	snop  }
0x7: {  	_ = 	snop  }
__scs_overlays_trampoline_lowered:
0x8: {  	[smem:$0x3FAE] =	sst s0  }
0x9: {  	[smem:$0x3FAF] =	sst s1  }
0xa: {  	[smem:$0x3FB0] =	sst s2  }
0xb: {  	[smem:$0x3FB1] =	sst s3  }
0xc: {  	[smem:$0x3FB2] =	sst s4  }
0xd: {  	[smem:$0x3FB3] =	sst s5  }
0xe: {  	[smem:$0x3FB4] =	sst s6  }
0xf: {  	[smem:$0x3FB5] =	sst s7  }
0x10: {  	[smem:$0x3FB6] =	sst s8  }
0x11: {  	[smem:$0x3FB7] =	sst s9;
	s0 =	simm.s32 @!p0 $0x0  }
0x12: {  	s1 =	sld [smem:$0x3F9D];
	s0 =	simm.s32 @p0 $0x1  }
0x13: {  	[smem:$0x3FB8] =	sst s0;
	s0 =	simm.s32 @!p1 $0x0  }
0x14: {  	s2 =	sld [smem:$0x3F9C];
	s0 =	simm.s32 @p1 $0x1  }
0x15: {  	[smem:$0x3FB9] =	sst s0;
	s0 =	simm.s32 @!p2 $0x0  }
0x16: {  	s3 =	sld [smem:$0x3FDB];
	s0 =	simm.s32 @p2 $0x1  }
0x17: {  	s4 =	simm.s32 $0x1BF5;
	[smem:$0x3FBB] =	sst s0  }
0x18: {  	s0 =	sld [smem:$0x3F9E];
	_ =	swait.ge [sflag:s4], $0x0  }
0x19: {  	s7 =	sld [smem:$0x3F9F]  }
0x1a: {  	s8 =	sadd.s32 $0xFFFFE003, lr  }
0x1b: {  	s9 =	sadd.s32 $0xFFFFFEF7, lr;
	s5 =	simm.s32 $0xFFFFFFFF;
	p2 =	slt.u32 s8, $0xFFFFF086  }
0x1c: {  	p1 =	slt.u32 s9, $0xF7A;
	s5 =	simm.s32 @!p2 $0x0  }
0x1d: {  	s5 =	simm.s32 @p1 $0x1;
	p0 =	seq.s32 s7, s2  }
0x1e: {  	s7 =	smul.u32 @!p0 $0xF7A, s2;
	p2 =	seq.s32 @!p0 s5, $0x0  }
0x1f: {  	s9 =	smul.u32 $0xF7A, s1;
	s8 =	simm.s32 @!p0 $0x1BF5;
	p2 =	por !p2, p0  }
0x20: {  	[sflag:s8] =	ssyncset.s32 @!p0 $0xFFFFF086;
	s6 =	sadd.s32 @!p0 s3, s7;
	s7 =	simm.s32 @!p0 $0x108  }
0x21: {  	s3 =	sadd.s32 s3, s9;
	s6 =	sadd.s32 @!p0 $0x88, s6;
	s7 =	simm.s32 @p2 $0x1082  }
0x22: {  	[simem:s7], [sflag:s8] =	dma.local @!p0 [hbm:s6], $0xF7A  }
0x23: {  	s9 =	sor.u32 $0xD0000000, s2;
	s6 =	simm.s32 $0x108;
	_ =	swait.ge @!p0 [sflag:s8], $0x0  }
0x24: {  	s3 =	sadd.s32 $0x88, s3;
	s6 =	simm.s32 @!p1 $0x1082;
	[sflag:s4] =	ssyncset.s32 $0xFFFFF086  }
0x25: {  	[simem:s6], [sflag:s4] =	dma.local [hbm:s3], $0xF7A  }
0x26: {  	[smem:$0x3F9F] =	sst s1;
	(tag) =	ssettag s2;
	_ =	strace s9  }
0x27: {  	s1 =	sld [smem:$0x3FAF]  }
0x28: {  	s2 =	sld [smem:$0x3FB0]  }
0x29: {  	s4 =	sld [smem:$0x3FB2]  }
0x2a: {  	p0 =	seq.s32 s5, $0x0;
	s5 =	sld [smem:$0x3FB3]  }
0x2b: {  	s6 =	sld [smem:$0x3FB4]  }
0x2c: {  	s7 =	sld [smem:$0x3FB5]  }
0x2d: {  	s3 =	simm.s32 $0x108;
	s8 =	sld [smem:$0x3FB6]  }
0x2e: {  	s3 =	simm.s32 @!p0 $0x1082;
	s9 =	sld [smem:$0x3FB7]  }
0x2f: {  	lr =	sadd.s32 s0, s3;
	s0 =	sld [smem:$0x3FAE]  }
0x30: {  	s3 =	sld [smem:$0x3FB1]  }
0x31: {  	[smem:$0x3FBA] =	sst s10  }
0x32: {  	s10 =	sld [smem:$0x3FB8];
	_ =	sdelay $0x3  }
0x33: {  	p0 =	seq.s32 s10, $0x1;
	s10 =	sld [smem:$0x3FBA];
	_ =	sdelay $0x3  }
0x34: {  	[smem:$0x3FBA] =	sst s10  }
0x35: {  	s10 =	sld [smem:$0x3FB9];
	_ =	sdelay $0x3  }
0x36: {  	p1 =	seq.s32 s10, $0x1;
	s10 =	sld [smem:$0x3FBA];
	_ =	sdelay $0x3  }
0x37: {  	[smem:$0x3FBA] =	sst s10  }
0x38: {  	s10 =	sld [smem:$0x3FBB]  }
0x39: {  	_ = 	snop;
	(pc) =	sbr.ind lr, $3  }
0x3a: {  	_ = 	snop  }
0x3b: {  	_ = 	snop  }
0x3c: {  	p2 =	seq.s32 s10, $0x1;
	s10 =	sld [smem:$0x3FBA]  }
0x3d: {  	_ =	shalt  }
0x3e: {  	_ =	shalt  }
0x3f: {  	_ =	shalt  }
0x40: {  	_ =	shalt  }
0x41: {  	_ =	shalt  }
0x42: {  	_ =	shalt  }
0x43: {  	_ =	shalt  }
0x44: {  	_ =	shalt  }
0x45: {  	_ =	shalt  }
0x46: {  	_ =	shalt  }
0x47: {  	_ =	shalt  }
0x48: {  	_ =	shalt  }
0x49: {  	_ =	shalt  }
0x4a: {  	_ =	shalt  }
0x4b: {  	_ =	shalt  }
0x4c: {  	_ =	shalt  }
0x4d: {  	_ =	shalt  }
0x4e: {  	_ =	shalt  }
0x4f: {  	_ =	shalt  }
0x50: {  	_ =	shalt  }
0x51: {  	_ =	shalt  }
0x52: {  	_ =	shalt  }
0x53: {  	_ =	shalt  }
0x54: {  	_ =	shalt  }
0x55: {  	_ =	shalt  }
0x56: {  	_ =	shalt  }
0x57: {  	_ =	shalt  }
0x58: {  	_ =	shalt  }
0x59: {  	_ =	shalt  }
0x5a: {  	_ =	shalt  }
0x5b: {  	_ =	shalt  }
0x5c: {  	_ =	shalt  }
0x5d: {  	_ =	shalt  }
0x5e: {  	_ =	shalt  }
0x5f: {  	_ =	shalt  }
0x60: {  	_ =	shalt  }
0x61: {  	_ =	shalt  }
0x62: {  	_ =	shalt  }
0x63: {  	_ =	shalt  }
0x64: {  	_ =	shalt  }
0x65: {  	_ =	shalt  }
0x66: {  	_ =	shalt  }
0x67: {  	_ =	shalt  }
0x68: {  	_ =	shalt  }
0x69: {  	_ =	shalt  }
0x6a: {  	_ =	shalt  }
0x6b: {  	_ =	shalt  }
0x6c: {  	_ =	shalt  }
0x6d: {  	_ =	shalt  }
0x6e: {  	_ =	shalt  }
0x6f: {  	_ =	shalt  }
0x70: {  	_ =	shalt  }
0x71: {  	_ =	shalt  }
0x72: {  	_ =	shalt  }
0x73: {  	_ =	shalt  }
0x74: {  	_ =	shalt  }
0x75: {  	_ =	shalt  }
0x76: {  	_ =	shalt  }
0x77: {  	_ =	shalt  }
0x78: {  	_ =	shalt  }
0x79: {  	_ =	shalt  }
0x7a: {  	_ =	shalt  }
0x7b: {  	_ =	shalt  }
0x7c: {  	_ =	shalt  }
0x7d: {  	_ =	shalt  }
0x7e: {  	_ =	shalt  }
0x7f: {  	_ =	shalt  }
0x80: {  	_ =	shalt  }
0x81: {  	_ =	shalt  }
0x82: {  	_ =	shalt  }
0x83: {  	_ =	shalt  }
0x84: {  	_ =	shalt  }
0x85: {  	_ =	shalt  }
0x86: {  	_ =	shalt  }
0x87: {  	_ =	shalt  }
.Lfunc_end0:
.L_simem_size_0:
called_computation_lowered:
.L_overlay_start_0:
0x88: {  	s2 =	sld [smem:$0x3FD9]  }
0x89: {  	s3 =	sld [smem:$0x3FFE];
	_ =	sdelay $0x1  }
0x8a: {  	s1 =	srdreg.scid  }
0x8b: {  	s0 =	sand.u32 $0x1, s1  }
0x8c: {  	s18 =	sshll.u32 s0, $0xA;
	s2 =	sadd.s32 s3, s2  }
0x8d: {  	s2 =	sadd.s32 s2, s18  }
0x8e: {  	[smem:$0x3FC6] =	sst s2  }
0x8f: {  	_ = 	snop  }
0x90: {  	s2 =	sld [smem:$0x3FC9]  }
0x91: {  	s19 =	sld [smem:$0x3FC8]  }
0x92: {  	s4 =	sld [smem:$0x3FD0];
	(tm) =	ssettm $0x1  }
0x93: {  	s5 =	sld [smem:$0x3FFB];
	_ =	sdelay $0x3  }
0x94: {  	_ =	strace s5  }
0x95: {  	s5 =	sld [smem:$0x3FFC];
	_ =	sdelay $0x3  }
0x96: {  	_ =	strace s5  }
0x97: {  	s5 =	sld [smem:$0x3FFD];
	_ =	sdelay $0x3  }
0x98: {  	_ =	strace s5  }
0x99: {  	_ =	strace $0x8FFFFFFF  }
0x9a: {  	s20 =	sld [smem:$0x3FDB];
	_ =	sdelay $0x1  }
0x9b: {  	s6 =	simm.s32 $_scs_section_size  }
0x9c: {  	s7 =	simm.s32 $_size__tile_overlayer_lowered;
	s8 =	simm.s32 $_tile_overlayer_lowered  }
0x9d: {  	s23 =	simm.s32 $0x1BFF;
	s22 =	sshll.u32 s8, $0x1;
	s5 =	sadd.s32 s6, s20  }
0x9e: {  	s9 =	simm.s32 $0x0;
	s21 =	sshll.u32 s7, $0x1;
	s7 =	sadd.s32 s22, s5  }
0x9f: {  	[timem:s9], [sflag:s23] =	dma.local [hbm:s7], s21  }
0xa0: {  	_ =	swait.ge [sflag:s23], s21  }
0xa1: {  	s6 =	ssub.s32 $0x0, s21;
	[sflag:s23] =	ssyncset.done $0x0  }
0xa2: {  	[sflag:s23] =	ssyncadd.s32 s6;
	_ =	sdelay $0x1  }
0xa3: {  	s24 =	simm.s32 $0x1B8B  }
0xa4: {  	_ =	swait.ge [sflag:s24], $0x1  }
0xa5: {  	[sflag:s24] =	ssyncset.done $0x0  }
0xa6: {  	s25 =	simm.s32 $0x1B8E;
	[sflag:s24] =	ssyncadd.s32 $0xFFFFFFFF  }
0xa7: {  	s26 =	simm.s32 $execute0_lowered;
	[smem:$0x3FD2] =	sst s25  }
0xa8: {  	s6 =	sshll.u32 s26, $0x1;
	_ =	strace $0x80000046;
	[dreg:$0x1] =	wrdreg $0xFFFFFFFF  }
0xa9: {  	s28 =	simm.s32 $_size_execute0_lowered;
	s5 =	sadd.s32 s5, s6;
	[dreg:$0x0] =	wrdreg $0x0  }
0xaa: {  	s6 =	sshll.u32 s28, $0x1;
	[dreg:$0x2] =	wrdreg s5  }
0xab: {  	[dreg:$0x3] =	wrdreg s6  }
0xac: {  	[dreg:$0x4] =	wrdreg $0xC0  }
0xad: {  	_ =	task [dreg:s9], $0x5FFFF  }
0xae: {  	[dreg:$0x1] =	wrdreg $0xFFFFFFFF  }
0xaf: {  	[dreg:$0x0] =	wrdreg $0x60  }
0xb0: {  	[dreg:$0x2] =	wrdreg s2  }
0xb1: {  	[dreg:$0x3] =	wrdreg s19  }
0xb2: {  	[dreg:$0x4] =	wrdreg s4  }
0xb3: {  	[dreg:$0x5] =	wrdreg $0x9  }
0xb4: {  	_ =	task.clear_ibuf [dreg:s9], $0x6FFFF;
	_ =	strace $0x90000046  }
0xb5: {  	s29 =	simm.s32 $0x9;
	_ =	strace $0x80000048  }
0xb6: {  	_ =	swait.ge [sflag:s29], $0x1  }
0xb7: {  	[sflag:s29] =	ssyncadd.s32 $0xFFFFFFFF  }
0xb8: {  	_ =	strace $0x90000048  }
0xb9: {  	_ =	sfence  }
0xba: {  	s30 =	sld [smem:$0x0];
	_ =	sdelay $0x2  }
0xbb: {  	s31 =	sshll.u32 s1, $0xD;
	s1 =	sshrl.u32 s1, $0x2  }
0xbc: {  	s3 =	sand.u32 $0x4000, s31;
	s1 =	sadd.s32 s1, s30  }
0xbd: {  	s0 =	sor.u32 s3, s0;
	s1 =	sshll.u32 s1, $0x11  }
0xbe: {  	s0 =	sor.u32 s1, s0  }
0xbf: {  	s0 =	sadd.s32 $0x8F2B, s0  }
0xc0: {  	[sflag:s0] =	ssyncadd.remote.s32 $0x1  }
0xc1: {  	_ =	sfence.sel $0xFFFF  }
0xc2: {  	[dreg:$0x0] =	wrdreg $0xFFFFFFFF;
	(pc) =	sbr.abs _section_cstart, $3  }
0xc3: {  	[dreg:$0x1] =	wrdreg $0xFFFFFFFF  }
0xc4: {  	_ =	task.clear_ibuf [dreg:s9], $0x2FFFF;
	_ =	strace $0x9FFFFFFF  }
0xc5: {  	(tm) =	ssettm $0x7FFFFFFF  }
tec
execute0_lowered:
.L_overlay_start_1:
0x0: {  	(tag) =	ssettag $0x1  }
0x1: {  	s4 =	rddreg [dreg:$0x0]  }
0x2: {  	s12 =	rddreg [dreg:$0x2]  }
0x3: {  	s5 =	srdreg.scid;
	s3 =	simm.s32 $0x0;
	s0 =	stileid.u32  }
0x4: {  	s17 =	simm.s32 $0x200;
	s18 =	simm.s32 $0x1;
	s19 =	simm.s32 $0x0  }
0x5: {  	s6 =	sand.u32 $0x1, s5;
	[smem:$0x7FF] =	sst s3;
	s7 =	sshll.u32 s0, $0x1  }
0x6: {  	s25 =	sshrl.u32 s0, $0x2;
	s29 =	sand.u32 $0x3, s0;
	s14 =	sadd.s32 $0x40, s12  }
0x7: {  	s5 =	ssub.s32 $0x2, s6;
	_ =	strace $0x80000047;
	s7 =	sand.u32 $0x6, s7  }
0x8: {  	s26 =	sshll.u32 s25, $0x4;
	s9 =	sshll.u32 s25, $0x17;
	s11 =	sshll.u32 s6, $0x14  }
0x9: {  	s8 =	sshrl.u32 s5, $0x1;
	s7 =	sor.u32 s6, s7;
	s4 =	sadd.s32 s4, s26  }
0xa: {  	s13 =	ssub.s32 s5, s8;
	s28 =	sshll.u32 s7, $0x14;
	s7 =	sshll.u32 s7, $0x9  }
0xb: {  	s5 =	sor.u32 s9, s28;
	s4 =	sadd.s32 s7, s4;
	s7 =	sshll.u32 s29, $0x15  }
0xc: {  	s13 =	smax.u32 s13, $0x1;
	s10 =	sshrl.u32 s5, $0x3;
	s9 =	sor.u32 s7, s9  }
0xd: {  	s5 =	sadd.s32 s12, s10;
	s30 =	sor.u32 $0x400, s10;
	s6 =	sadd.s32 s10, s14  }
0xe: {  	s9 =	sor.u32 s11, s9;
	s31 =	sor.u32 $0x800, s10;
	s16 =	sor.u32 $0xC00, s10  }
0xf: {  	s7 =	sadd.s32 s12, s30;
	s8 =	sadd.s32 s30, s14;
	s15 =	sor.u32 $0x8000, s9  }
0x10: {  	s9 =	sadd.s32 s12, s31;
	s10 =	sadd.s32 s31, s14;
	s15 =	sshrl.u32 s15, $0x3  }
0x11: {  	s11 =	sadd.s32 s12, s16;
	s15 =	sadd.s32 s15, s12;
	s12 =	sadd.s32 s16, s14  }
0x12: {  	s14 =	simm.s32 $0x400;
	[dreg:$0x4] =	wrdreg s15;
	s15 =	simm.s32 $0x2  }
.LBB2_1:
0x13: {  	s0 =	rddreg [dreg:$0x1];
	s20 =	simm.s32 $0x0  }
0x14: {  	[tilespmem:s14], [sflag:$0x2] =	stream.linear.gather [hbm4b:s0+s3], $0x800, $0x38;
	[tilespmem:$0x10C00] =	vst v63  }
0x15: {  	s21 =	sand.u32 $0x3, s20;
	_ =	swait.ge [sflag:s15], $0x800  }
0x16: {  	s24 =	simm.s32 $0x0;
	s22 =	sxor.u32 $0x3, s21;
	[sflag:s15] =	ssyncset.done $0x0  }
0x17: {  	s23 =	simm.s32 $0x80;
	s20 =	sshrl.u32 s24, s22;
	[sflag:s15] =	ssyncadd.s32 $0xFFFFF800  }
0x18: {  	[tilespmem:s3], [sflag:$0x2] =	stream.strided.gather [hbm4b:s4+s23], $0x400, s17, s23, $0x38;
	[tilespmem:$0x10C00] =	vst v63  }
0x19: {  	s25 =	sand.u32 $0x7, s3;
	s20 =	sshll.u32 s20, $0x7;
	_ =	swait.ge [sflag:s15], $0x400  }
0x1a: {  	s20 =	sand.u32 $0x80, s20;
	s23 =	sshll.u32 s25, $0x8;
	[sflag:s15] =	ssyncset.done $0x0  }
0x1b: {  	s26 =	sor.u32 s20, s23;
	[sflag:s15] =	ssyncadd.s32 $0xFFFFFC00  }
0x1c: {  	s28 =	simm.s32 $0x0;
	v3 =	vld [tilespmem:s26+$0x470]  }
0x1d: {  	s29 =	simm.s32 $0x0;
	s22 =	sshll.u32 s25, $0x9;
	s20 =	sand.u32 $0x3FFFF000, s28;
	v4 =	vld [tilespmem:s26+$0x400]  }
0x1e: {  	s30 =	simm.s32 $0x0;
	s22 =	sor.u32 s22, s20;
	s20 =	sand.u32 $0x3, s29;
	v5 =	vld [tilespmem:s26+$0x450]  }
0x1f: {  	s21 =	sshll.u32 s21, $0x7;
	s24 =	simm.s32 $0x80;
	s25 =	sxor.u32 $0x3, s20;
	v1 =	vld [tilespmem:s26+$0x460]  }
0x20: {  	s23 =	simm.s32 $0x1;
	s21 =	sor.u32 s21, s22;
	s25 =	sshrl.u32 s30, s25;
	v0 =	vld [tilespmem:s26+$0x410]  }
0x21: {  	s28 =	sand.u32 $0x3FFFF000, s24;
	s31 =	sand.u32 $0x7, s23;
	v2 =	vld [tilespmem:s26+$0x430];
	s25 =	sshll.u32 s25, $0x7;
	[tilespmem:s21+$0xC70] =	vst v3  }
0x22: {  	s29 =	sshll.u32 s31, $0x8;
	s30 =	sshll.u32 s31, $0x9;
	s25 =	sand.u32 $0x80, s25;
	[tilespmem:s21+$0xC00] =	vst v4;
	v4 =	vld [tilespmem:s26+$0x440]  }
0x23: {  	s24 =	simm.s32 $0x8;
	s22 =	sor.u32 s25, s29;
	s25 =	sor.u32 s30, s28;
	v3 =	vld [tilespmem:s26+$0x420];
	[tilespmem:s21+$0xC50] =	vst v5  }
.LBB2_2:
0x24: {  	s24 =	sadd.s32 $0x8, s24;
	v5 =	vld [tilespmem:s22+$0x470];
	[tilespmem:s21+$0xC60] =	vst v1  }
0x25: {  	s26 =	sshrl.u32 s24, $0x6;
	s28 =	sshll.u32 s24, $0x4;
	p0 =	slt.u32 s24, $0xFF8;
	v6 =	vld [tilespmem:s22+$0x400];
	[tilespmem:s21+$0xC10] =	vst v0  }
0x26: {  	s29 =	sshll.u32 s20, $0x7;
	s20 =	sand.u32 $0x3, s26;
	v7 =	vld [tilespmem:s22+$0x450];
	[tilespmem:s21+$0xC30] =	vst v2  }
.Ltmp0:
0x27: {  	s26 =	sshrl.u32 s24, $0x8;
	s30 =	sxor.u32 $0x3, s20;
	v1 =	vld [tilespmem:s22+$0x460];
	[tilespmem:s21+$0xC40] =	vst v4;
	(pc) =	sbr.rel @p0 .LBB2_2-.Ltmp0, $4  }
0x28: {  	s23 =	sadd.s32 $0x1, s23;
	s26 =	sshrl.u32 s26, s30;
	v0 =	vld [tilespmem:s22+$0x410];
	[tilespmem:s21+$0xC20] =	vst v3;
	s21 =	sor.u32 s29, s25  }
0x29: {  	s28 =	sand.u32 $0x3FFFF000, s28;
	s25 =	sand.u32 $0x7, s23;
	s26 =	sshll.u32 s26, $0x7;
	v2 =	vld [tilespmem:s22+$0x430];
	[tilespmem:s21+$0xC70] =	vst v5  }
0x2a: {  	s29 =	sshll.u32 s25, $0x8;
	s25 =	sshll.u32 s25, $0x9;
	s26 =	sand.u32 $0x80, s26;
	[tilespmem:s21+$0xC00] =	vst v6;
	v4 =	vld [tilespmem:s22+$0x440]  }
0x2b: {  	s25 =	sor.u32 s25, s28;
	v3 =	vld [tilespmem:s22+$0x420];
	s22 =	sor.u32 s26, s29;
	[tilespmem:s21+$0xC50] =	vst v7  }
0x2c: {  	v5 =	vld [tilespmem:s22+$0x470];
	[tilespmem:s21+$0xC60] =	vst v1  }
0x2d: {  	v41 =	vld [tilespmem:s22+$0x400];
	[tilespmem:s21+$0xC10] =	vst v0  }
0x2e: {  	v42 =	vld [tilespmem:s22+$0x450];
	[tilespmem:s21+$0xC30] =	vst v2  }
0x2f: {  	s20 =	sshll.u32 s20, $0x7;
	v43 =	vld [tilespmem:s22+$0x460];
	[tilespmem:s21+$0xC40] =	vst v4  }
0x30: {  	v44 =	vld [tilespmem:s22+$0x410];
	s20 =	sor.u32 s20, s25;
	[tilespmem:s21+$0xC20] =	vst v3  }
0x31: {  	v45 =	vld [tilespmem:s22+$0x430];
	[tilespmem:s20+$0xC70] =	vst v5  }
0x32: {  	v46 =	vld [tilespmem:s22+$0x440];
	[tilespmem:s20+$0xC00] =	vst v41  }
0x33: {  	v47 =	vld [tilespmem:s22+$0x420];
	[tilespmem:s20+$0xC50] =	vst v42  }
0x34: {  	[tilespmem:s20+$0xC60] =	vst v43  }
0x35: {  	[tilespmem:s20+$0xC10] =	vst v44  }
0x36: {  	[tilespmem:s20+$0xC30] =	vst v45  }
0x37: {  	[tilespmem:s20+$0xC40] =	vst v46  }
0x38: {  	[tilespmem:s20+$0xC20] =	vst v47  }
0x39: {  	v0 =	vld [tilespmem:$0x0];
	_ =	sdelay $0x4  }
0x3a: {  	v48 =	vshll.u32 v0, $0x11  }
0x3b: {  	v49 =	vshll.u32 v0, $0x10;
	v1 =	vshra.s32 v48, $0x2  }
0x3c: {  	v50 =	vshll.u32 v0, $0xF;
	v2 =	vshra.s32 v49, $0x2;
	(v2sf) =	vpush v1, $0x0  }
0x3d: {  	v0 =	vshll.u32 v0, $0xE;
	v3 =	vshra.s32 v50, $0x2;
	(v2sf) =	vpush v2, $0x1  }
0x3e: {  	v0 =	vshra.s32 v0, $0x2;
	(v2sf) =	vpush v3, $0x2  }
0x3f: {  	(v2sf) =	vpush v0, $0x3  }
0x40: {  	(v2sf) =	vpush v1, $0x4  }
0x41: {  	(v2sf) =	vpush v2, $0x5  }
0x42: {  	(v2sf) =	vpush v3, $0x6;
	_ =	sdelay $0x1  }
0x43: {  	(v2sf) =	vpush v0, $0x7  }
0x44: {  	(v2sf) =	vpush v1, $0x8  }
0x45: {  	(v2sf) =	vpush v2, $0x9  }
0x46: {  	(v2sf) =	vpush v3, $0xA  }
0x47: {  	(v2sf) =	vpush v0, $0xB;
	_ =	sdelay $0x1  }
0x48: {  	(v2sf) =	vpush v1, $0xC  }
0x49: {  	v4 =	vld [tilespmem:$0x10];
	(v2sf) =	vpush v2, $0xD;
	s26 =	spop (v2sf)  }
0x4a: {  	s31 =	spop (v2sf)  }
0x4b: {  	s0 =	spop (v2sf)  }
0x4c: {  	s1 =	spop (v2sf)  }
0x4d: {  	s2 =	spop (v2sf)  }
0x4e: {  	v51 =	vshll.u32 v4, $0x11;
	s16 =	spop (v2sf);
	(v2sf) =	vpush v3, $0xE  }
0x4f: {  	s22 =	spop (v2sf);
	(v2sf) =	vpush v0, $0xF;
	v0 =	vshra.s32 v51, $0x2  }
0x50: {  	v52 =	vshll.u32 v4, $0x10;
	(v2sf) =	vpush v0, $0x0  }
0x51: {  	v53 =	vshll.u32 v4, $0xF;
	v1 =	vshra.s32 v52, $0x2;
	s23 =	spop (v2sf)  }
0x52: {  	v54 =	vshll.u32 v4, $0xE;
	v2 =	vshra.s32 v53, $0x2;
	s20 =	sadd.s32 s31, s26;
	s24 =	spop (v2sf);
	(v2sf) =	vpush v1, $0x1  }
0x53: {  	s20 =	sadd.s32 s20, s0;
	v3 =	vshra.s32 v54, $0x2;
	s25 =	spop (v2sf);
	(v2sf) =	vpush v2, $0x2  }
0x54: {  	s20 =	sadd.s32 s20, s1;
	s26 =	spop (v2sf);
	(v2sf) =	vpush v3, $0x3  }
0x55: {  	s20 =	sadd.s32 $0xC00, s20;
	s31 =	spop (v2sf);
	(v2sf) =	vpush v0, $0x4  }
0x56: {  	[hbm4b:s5+s17] =	stream.strided.scatter [tilespmem:s20], [sflag:$0x1], $0x1000, s14, s17, $0x38;
	[tilespmem:$0x10C00] =	vst v63  }
0x57: {  	s20 =	sadd.s32 s16, s2;
	s0 =	spop (v2sf);
	(v2sf) =	vpush v1, $0x5  }
0x58: {  	s20 =	sadd.s32 s20, s22;
	s1 =	spop (v2sf);
	(v2sf) =	vpush v2, $0x6  }
0x59: {  	s20 =	sadd.s32 s20, s23  }
0x5a: {  	s20 =	sadd.s32 $0xC00, s20  }
0x5b: {  	[hbm4b:s6+s17] =	stream.strided.scatter [tilespmem:s20], [sflag:$0x1], $0x1000, s14, s17, $0x38;
	[tilespmem:$0x10C00] =	vst v63  }
0x5c: {  	s20 =	sadd.s32 s25, s24  }
0x5d: {  	s20 =	sadd.s32 s20, s26;
	s2 =	spop (v2sf);
	(v2sf) =	vpush v3, $0x7  }
0x5e: {  	s20 =	sadd.s32 s20, s31;
	s16 =	spop (v2sf);
	(v2sf) =	vpush v0, $0x8  }
0x5f: {  	s20 =	sadd.s32 $0xC00, s20;
	s21 =	spop (v2sf);
	(v2sf) =	vpush v1, $0x9  }
0x60: {  	[hbm4b:s7+s17] =	stream.strided.scatter [tilespmem:s20], [sflag:$0x1], $0x1000, s14, s17, $0x38;
	[tilespmem:$0x10C00] =	vst v63  }
0x61: {  	s20 =	sadd.s32 s1, s0;
	s22 =	spop (v2sf);
	(v2sf) =	vpush v2, $0xA  }
0x62: {  	s20 =	sadd.s32 s20, s2;
	s23 =	spop (v2sf);
	(v2sf) =	vpush v3, $0xB  }
0x63: {  	s20 =	sadd.s32 s20, s16;
	s24 =	spop (v2sf);
	(v2sf) =	vpush v0, $0xC  }
0x64: {  	s20 =	sor.u32 $0xC00, s20;
	s25 =	spop (v2sf);
	(v2sf) =	vpush v1, $0xD  }
0x65: {  	[hbm4b:s8+s17] =	stream.strided.scatter [tilespmem:s20], [sflag:$0x1], $0x1000, s14, s17, $0x38;
	[tilespmem:$0x10C00] =	vst v63  }
0x66: {  	s20 =	sadd.s32 s22, s21;
	s26 =	spop (v2sf);
	(v2sf) =	vpush v2, $0xE  }
0x67: {  	s20 =	sadd.s32 s20, s23;
	s31 =	spop (v2sf);
	(v2sf) =	vpush v3, $0xF  }
0x68: {  	s20 =	sadd.s32 s20, s24  }
0x69: {  	s20 =	sadd.s32 $0xC00, s20  }
0x6a: {  	[hbm4b:s9+s17] =	stream.strided.scatter [tilespmem:s20], [sflag:$0x1], $0x1000, s14, s17, $0x38;
	[tilespmem:$0x10C00] =	vst v63  }
0x6b: {  	s20 =	sadd.s32 s26, s25  }
0x6c: {  	s20 =	sadd.s32 s20, s31;
	s0 =	spop (v2sf)  }
0x6d: {  	s20 =	sadd.s32 s20, s0;
	s1 =	spop (v2sf)  }
0x6e: {  	s20 =	sadd.s32 $0xC00, s20;
	s2 =	spop (v2sf)  }
0x6f: {  	[hbm4b:s10+s17] =	stream.strided.scatter [tilespmem:s20], [sflag:$0x1], $0x1000, s14, s17, $0x38;
	[tilespmem:$0x10C00] =	vst v63  }
0x70: {  	s20 =	sadd.s32 s2, s1;
	s16 =	spop (v2sf)  }
0x71: {  	s20 =	sadd.s32 s20, s16;
	s22 =	spop (v2sf)  }
0x72: {  	s20 =	sadd.s32 s20, s22;
	s23 =	spop (v2sf)  }
0x73: {  	s20 =	sadd.s32 $0xC00, s20;
	s24 =	spop (v2sf)  }
0x74: {  	[hbm4b:s11+s17] =	stream.strided.scatter [tilespmem:s20], [sflag:$0x1], $0x1000, s14, s17, $0x38;
	[tilespmem:$0x10C00] =	vst v63  }
0x75: {  	s20 =	sadd.s32 s24, s23;
	s25 =	spop (v2sf)  }
0x76: {  	s20 =	sadd.s32 s20, s25;
	s26 =	spop (v2sf)  }
0x77: {  	s20 =	sadd.s32 s20, s26  }
0x78: {  	s20 =	sor.u32 $0xC00, s20  }
0x79: {  	[hbm4b:s12+s17] =	stream.strided.scatter [tilespmem:s20], [sflag:$0x1], $0x1000, s14, s17, $0x38;
	[tilespmem:$0x10C00] =	vst v63  }
0x7a: {  	s20 =	simm.s32 $0x30  }
0x7b: {  	v55 =	vld [tilespmem:s20+$0xFFFFFFF0];
	_ =	sdelay $0x4  }
0x7c: {  	v56 =	vshll.u32 v55, $0x10  }
0x7d: {  	v57 =	vshll.u32 v55, $0xE;
	v1 =	vshra.s32 v56, $0x2  }
0x7e: {  	v2 =	vshra.s32 v57, $0x2;
	(v2sf) =	vpush v1, $0x9  }
0x7f: {  	(v2sf) =	vpush v2, $0xF  }
0x80: {  	v58 =	vshll.u32 v55, $0x11;
	(v2sf) =	vpush v2, $0x3  }
0x81: {  	v0 =	vshll.u32 v55, $0xF;
	v3 =	vshra.s32 v58, $0x2;
	(v2sf) =	vpush v2, $0xB  }
0x82: {  	v0 =	vshra.s32 v0, $0x2;
	(v2sf) =	vpush v3, $0xC  }
0x83: {  	(v2sf) =	vpush v0, $0xA  }
0x84: {  	(v2sf) =	vpush v3, $0x8  }
0x85: {  	(v2sf) =	vpush v1, $0xD  }
0x86: {  	(v2sf) =	vpush v0, $0xE  }
0x87: {  	(v2sf) =	vpush v1, $0x5  }
0x88: {  	v59 =	vld [tilespmem:s20+$0x0];
	(v2sf) =	vpush v0, $0x6  }
0x89: {  	(v2sf) =	vpush v2, $0x7  }
0x8a: {  	(v2sf) =	vpush v0, $0x2  }
0x8b: {  	(v2sf) =	vpush v3, $0x4  }
0x8c: {  	(v2sf) =	vpush v3, $0x0  }
0x8d: {  	v60 =	vshll.u32 v59, $0xF;
	(v2sf) =	vpush v1, $0x1;
	s21 =	spop (v2sf)  }
0x8e: {  	v61 =	vshll.u32 v59, $0x11;
	v0 =	vshra.s32 v60, $0x2;
	s22 =	spop (v2sf)  }
0x8f: {  	v62 =	vshll.u32 v59, $0xE;
	v1 =	vshra.s32 v61, $0x2;
	(v2sf) =	vpush v0, $0xA;
	s23 =	spop (v2sf)  }
0x90: {  	v2 =	vshra.s32 v62, $0x2;
	(v2sf) =	vpush v1, $0x8;
	s24 =	spop (v2sf)  }
0x91: {  	(v2sf) =	vpush v2, $0xB;
	s25 =	spop (v2sf)  }
0x92: {  	s26 =	spop (v2sf)  }
0x93: {  	v63 =	vshll.u32 v59, $0x10;
	(v2sf) =	vpush v0, $0x6;
	s28 =	spop (v2sf)  }
0x94: {  	v3 =	vshra.s32 v63, $0x2;
	s29 =	spop (v2sf)  }
0x95: {  	(v2sf) =	vpush v3, $0x9;
	s30 =	spop (v2sf)  }
0x96: {  	s31 =	spop (v2sf)  }
0x97: {  	(v2sf) =	vpush v1, $0x4;
	s0 =	spop (v2sf)  }
0x98: {  	(v2sf) =	vpush v2, $0x7;
	s2 =	spop (v2sf)  }
0x99: {  	(v2sf) =	vpush v3, $0x5;
	s1 =	spop (v2sf)  }
0x9a: {  	(v2sf) =	vpush v3, $0x1;
	s16 =	spop (v2sf)  }
0x9b: {  	s21 =	sadd.s32 s21, s28;
	(v2sf) =	vpush v1, $0x0;
	s28 =	spop (v2sf)  }
0x9c: {  	s21 =	sadd.s32 s21, s26;
	(v2sf) =	vpush v3, $0xD;
	s16 =	sadd.s32 s31, s16;
	s31 =	spop (v2sf)  }
0x9d: {  	s21 =	sadd.s32 s21, s24;
	(v2sf) =	vpush v0, $0x2;
	s0 =	sadd.s32 s16, s0;
	s26 =	sadd.s32 s31, s28  }
0x9e: {  	(v2sf) =	vpush v2, $0x3;
	s31 =	rddreg [dreg:$0x4];
	s16 =	spop (v2sf);
	s1 =	sadd.s32 s26, s1  }
0x9f: {  	(v2sf) =	vpush v1, $0xC;
	s0 =	sadd.s32 s0, s2;
	s2 =	spop (v2sf);
	s1 =	sadd.s32 s1, s23  }
0xa0: {  	(v2sf) =	vpush v0, $0xE;
	s28 =	spop (v2sf);
	s23 =	sadd.s32 $0x0, s31;
	s1 =	sadd.s32 $0xC00, s1  }
0xa1: {  	[hbm4b:s23+s17] =	stream.strided.scatter [tilespmem:s1], [sflag:$0x1], $0x1000, s14, s17, $0x38;
	[tilespmem:$0x10C00] =	vst v63  }
0xa2: {  	s0 =	sadd.s32 $0xC00, s0;
	s26 =	sadd.s32 $0x40, s23;
	s1 =	spop (v2sf)  }
0xa3: {  	[hbm4b:s26+s17] =	stream.strided.scatter [tilespmem:s0], [sflag:$0x1], $0x1000, s14, s17, $0x38;
	[tilespmem:$0x10C00] =	vst v63  }
0xa4: {  	s21 =	sadd.s32 $0xC00, s21;
	s31 =	sadd.s32 $0x400, s23;
	s0 =	spop (v2sf)  }
0xa5: {  	[hbm4b:s31+s17] =	stream.strided.scatter [tilespmem:s21], [sflag:$0x1], $0x1000, s14, s17, $0x38;
	[tilespmem:$0x10C00] =	vst v63  }
0xa6: {  	s31 =	spop (v2sf)  }
0xa7: {  	s25 =	sadd.s32 s29, s25;
	s29 =	spop (v2sf)  }
0xa8: {  	s26 =	sadd.s32 s25, s30;
	s30 =	spop (v2sf)  }
0xa9: {  	s0 =	sadd.s32 s0, s2;
	s22 =	sadd.s32 s26, s22;
	s2 =	spop (v2sf)  }
0xaa: {  	s26 =	sadd.s32 $0x440, s23;
	s0 =	sadd.s32 s0, s16;
	s16 =	spop (v2sf)  }
0xab: {  	s21 =	simm.s32 $0x1000;
	s25 =	sadd.s32 s0, s28;
	s0 =	spop (v2sf)  }
0xac: {  	s24 =	sor.u32 $0xC00, s22;
	s31 =	sadd.s32 s30, s31;
	s30 =	spop (v2sf)  }
0xad: {  	s1 =	sadd.s32 s31, s1;
	s2 =	sadd.s32 s2, s16;
	s16 =	spop (v2sf)  }
0xae: {  	s28 =	sadd.s32 s1, s29;
	s22 =	sadd.s32 s2, s30;
	s31 =	spop (v2sf)  }
0xaf: {  	(v2sf) =	vpush v2, $0xF;
	s29 =	sadd.s32 s22, s16;
	s22 =	sadd.s32 s0, s31;
	s30 =	spop (v2sf)  }
.LBB2_4:
0xb0: {  	_ =	sdelay $0x6  }
0xb1: {  	[hbm4b:s26+s17] =	stream.strided.scatter [tilespmem:s24], [sflag:$0x1], $0x1000, s14, s17, $0x38;
	[tilespmem:$0x10C00] =	vst v63  }
0xb2: {  	s2 =	sadd.s32 $0x800, s23;
	s16 =	sadd.s32 $0xC00, s29  }
0xb3: {  	[hbm4b:s2+s17] =	stream.strided.scatter [tilespmem:s16], [sflag:$0x1], $0x1000, s14, s17, $0x38;
	[tilespmem:$0x10C00] =	vst v63  }
0xb4: {  	s26 =	sadd.s32 $0x840, s23;
	s31 =	sadd.s32 $0xC00, s28  }
0xb5: {  	[hbm4b:s26+s17] =	stream.strided.scatter [tilespmem:s31], [sflag:$0x1], $0x1000, s14, s17, $0x38;
	[tilespmem:$0x10C00] =	vst v63  }
0xb6: {  	s2 =	sadd.s32 $0xC00, s23;
	s16 =	sadd.s32 $0xC00, s25  }
0xb7: {  	[hbm4b:s2+s17] =	stream.strided.scatter [tilespmem:s16], [sflag:$0x1], $0x1000, s14, s17, $0x38;
	[tilespmem:$0x10C00] =	vst v63  }
0xb8: {  	s0 =	sadd.s32 s22, s30;
	s1 =	spop (v2sf)  }
0xb9: {  	s0 =	sadd.s32 s0, s1  }
0xba: {  	s23 =	sadd.s32 $0xC40, s23;
	s0 =	sor.u32 $0xC00, s0  }
0xbb: {  	[hbm4b:s23+s17] =	stream.strided.scatter [tilespmem:s0], [sflag:$0x1], $0x1000, s14, s17, $0x38;
	[tilespmem:$0x10C00] =	vst v63  }
0xbc: {  	_ =	swait.ge [sflag:s18], $0x1000  }
0xbd: {  	[sflag:s18] =	ssyncset.done $0x0  }
0xbe: {  	[sflag:s18] =	ssyncadd.s32 $0xFFFFF000  }
0xbf: {  	_ =	swait.ge [sflag:s18], $0x1000  }
0xc0: {  	[sflag:s18] =	ssyncset.done $0x0  }
0xc1: {  	[sflag:s18] =	ssyncadd.s32 $0xFFFFF000  }
0xc2: {  	_ =	swait.ge [sflag:s18], $0x1000  }
0xc3: {  	[sflag:s18] =	ssyncset.done $0x0  }
0xc4: {  	[sflag:s18] =	ssyncadd.s32 $0xFFFFF000  }
0xc5: {  	_ =	swait.ge [sflag:s18], $0x1000  }
0xc6: {  	[sflag:s18] =	ssyncset.done $0x0  }
0xc7: {  	[sflag:s18] =	ssyncadd.s32 $0xFFFFF000  }
0xc8: {  	_ =	swait.ge [sflag:s18], $0x1000  }
0xc9: {  	[sflag:s18] =	ssyncset.done $0x0  }
0xca: {  	[sflag:s18] =	ssyncadd.s32 $0xFFFFF000  }
0xcb: {  	_ =	swait.ge [sflag:s18], $0x1000  }
0xcc: {  	[sflag:s18] =	ssyncset.done $0x0  }
0xcd: {  	[sflag:s18] =	ssyncadd.s32 $0xFFFFF000  }
0xce: {  	_ =	swait.ge [sflag:s18], $0x1000  }
0xcf: {  	[sflag:s18] =	ssyncset.done $0x0  }
0xd0: {  	[sflag:s18] =	ssyncadd.s32 $0xFFFFF000  }
0xd1: {  	_ =	swait.ge [sflag:s18], $0x1000  }
0xd2: {  	[sflag:s18] =	ssyncset.done $0x0  }
0xd3: {  	s20 =	sadd.s32 $0x20, s20;
	[sflag:s18] =	ssyncadd.s32 $0xFFFFF000  }
0xd4: {  	v0 =	vld [tilespmem:s20+$0xFFFFFFF0];
	_ =	sdelay $0x4  }
0xd5: {  	v1 =	vshll.u32 v0, $0x10  }
0xd6: {  	v2 =	vshll.u32 v0, $0xE;
	v1 =	vshra.s32 v1, $0x2  }
0xd7: {  	v2 =	vshra.s32 v2, $0x2;
	(v2sf) =	vpush v1, $0x9  }
0xd8: {  	(v2sf) =	vpush v2, $0xF  }
0xd9: {  	v3 =	vshll.u32 v0, $0x11;
	(v2sf) =	vpush v2, $0x3  }
0xda: {  	v0 =	vshll.u32 v0, $0xF;
	v3 =	vshra.s32 v3, $0x2;
	(v2sf) =	vpush v2, $0xB  }
0xdb: {  	v0 =	vshra.s32 v0, $0x2;
	(v2sf) =	vpush v3, $0xC  }
0xdc: {  	(v2sf) =	vpush v0, $0xA  }
0xdd: {  	(v2sf) =	vpush v3, $0x8  }
0xde: {  	(v2sf) =	vpush v1, $0xD  }
0xdf: {  	(v2sf) =	vpush v0, $0xE  }
0xe0: {  	v4 =	vld [tilespmem:s20+$0x0];
	(v2sf) =	vpush v1, $0x5  }
0xe1: {  	(v2sf) =	vpush v0, $0x6  }
0xe2: {  	(v2sf) =	vpush v2, $0x7  }
0xe3: {  	(v2sf) =	vpush v0, $0x2  }
0xe4: {  	(v2sf) =	vpush v3, $0x4  }
0xe5: {  	v5 =	vshll.u32 v4, $0x11;
	v63 =	vshll.u32 v4, $0xF;
	(v2sf) =	vpush v3, $0x0  }
0xe6: {  	v6 =	vshll.u32 v4, $0x10;
	v0 =	vshra.s32 v63, $0x2;
	(v2sf) =	vpush v1, $0x1;
	s0 =	spop (v2sf)  }
0xe7: {  	v4 =	vshll.u32 v4, $0xE;
	v61 =	vshra.s32 v5, $0x2;
	s1 =	spop (v2sf);
	(v2sf) =	vpush v0, $0xA  }
0xe8: {  	v4 =	vshra.s32 v4, $0x2;
	s2 =	spop (v2sf);
	(v2sf) =	vpush v61, $0x8  }
0xe9: {  	s16 =	spop (v2sf);
	(v2sf) =	vpush v4, $0xB  }
0xea: {  	v62 =	vshra.s32 v6, $0x2;
	s24 =	spop (v2sf);
	(v2sf) =	vpush v0, $0x6  }
0xeb: {  	s25 =	spop (v2sf);
	(v2sf) =	vpush v62, $0x9  }
0xec: {  	s26 =	spop (v2sf)  }
0xed: {  	(v2sf) =	vpush v61, $0x4;
	s31 =	spop (v2sf)  }
0xee: {  	(v2sf) =	vpush v4, $0x7;
	s23 =	sadd.s32 s31, s24;
	s31 =	spop (v2sf)  }
0xef: {  	s23 =	sadd.s32 s23, s31;
	s28 =	spop (v2sf);
	(v2sf) =	vpush v62, $0x5  }
0xf0: {  	s1 =	sadd.s32 s23, s1;
	s23 =	spop (v2sf);
	(v2sf) =	vpush v62, $0x1  }
0xf1: {  	s24 =	sor.u32 $0xC00, s1;
	s1 =	spop (v2sf);
	(v2sf) =	vpush v61, $0x0  }
0xf2: {  	s29 =	spop (v2sf)  }
0xf3: {  	s0 =	sadd.s32 s0, s26;
	(v2sf) =	vpush v62, $0xD;
	s31 =	spop (v2sf)  }
0xf4: {  	s0 =	sadd.s32 s0, s25;
	s25 =	spop (v2sf)  }
0xf5: {  	(v2sf) =	vpush v0, $0x2;
	s26 =	sadd.s32 s28, s31;
	s31 =	spop (v2sf)  }
0xf6: {  	s0 =	sadd.s32 s0, s16;
	(v2sf) =	vpush v4, $0x3;
	s16 =	sadd.s32 s31, s25;
	s25 =	spop (v2sf)  }
0xf7: {  	s23 =	sadd.s32 s26, s23;
	s16 =	sadd.s32 s16, s29;
	s26 =	spop (v2sf)  }
0xf8: {  	s22 =	smov.u32 s21;
	(v2sf) =	vpush v61, $0xC;
	s2 =	sadd.s32 s16, s2;
	s16 =	spop (v2sf)  }
0xf9: {  	s1 =	sadd.s32 s23, s1;
	s31 =	rddreg [dreg:$0x4];
	(v2sf) =	vpush v0, $0xE;
	s28 =	spop (v2sf)  }
0xfa: {  	s23 =	sadd.s32 s22, s31;
	s2 =	sadd.s32 $0xC00, s2;
	s29 =	spop (v2sf)  }
0xfb: {  	[hbm4b:s23+s17] =	stream.strided.scatter [tilespmem:s2], [sflag:$0x1], $0x1000, s14, s17, $0x38;
	[tilespmem:$0x10C00] =	vst v63  }
0xfc: {  	s29 =	sadd.s32 s29, s26;
	s30 =	spop (v2sf)  }
0xfd: {  	s31 =	sadd.s32 s29, s25;
	s29 =	spop (v2sf)  }
0xfe: {  	s25 =	sadd.s32 s31, s16;
	s16 =	spop (v2sf)  }
0xff: {  	s22 =	spop (v2sf)  }
0x100: {  	p0 =	sne.s32 s21, $0x1E000;
	s2 =	sadd.s32 s16, s30;
	s31 =	spop (v2sf)  }
0x101: {  	s1 =	sadd.s32 $0xC00, s1;
	s2 =	sadd.s32 s2, s28;
	s16 =	sadd.s32 s22, s31  }
0x102: {  	s28 =	sadd.s32 s2, s29;
	s2 =	spop (v2sf);
	s31 =	sadd.s32 $0x40, s23  }
0x103: {  	[hbm4b:s31+s17] =	stream.strided.scatter [tilespmem:s1], [sflag:$0x1], $0x1000, s14, s17, $0x38;
	[tilespmem:$0x10C00] =	vst v63  }
.Ltmp1:
0x104: {  	s0 =	sadd.s32 $0xC00, s0;
	s29 =	spop (v2sf);
	(pc) =	sbr.rel @p0 .LBB2_4-.Ltmp1, $4  }
0x105: {  	s31 =	sadd.s32 $0x400, s23;
	s16 =	sadd.s32 s16, s29;
	s29 =	spop (v2sf)  }
0x106: {  	[hbm4b:s31+s17] =	stream.strided.scatter [tilespmem:s0], [sflag:$0x1], $0x1000, s14, s17, $0x38;
	[tilespmem:$0x10C00] =	vst v63  }
0x107: {  	s21 =	sadd.s32 $0x1000, s21;
	s26 =	sadd.s32 $0x440, s23;
	s22 =	spop (v2sf)  }
0x108: {  	(v2sf) =	vpush v4, $0xF;
	s29 =	sadd.s32 s16, s29;
	s22 =	sadd.s32 s2, s22;
	s30 =	spop (v2sf)  }
0x109: {  	_ =	sdelay $0x6  }
0x10a: {  	[hbm4b:s26+s17] =	stream.strided.scatter [tilespmem:s24], [sflag:$0x1], $0x1000, s14, s17, $0x38;
	[tilespmem:$0x10C00] =	vst v63  }
0x10b: {  	s1 =	sadd.s32 $0x800, s23;
	s2 =	sadd.s32 $0xC00, s29  }
0x10c: {  	[hbm4b:s1+s17] =	stream.strided.scatter [tilespmem:s2], [sflag:$0x1], $0x1000, s14, s17, $0x38;
	[tilespmem:$0x10C00] =	vst v63  }
0x10d: {  	s26 =	sadd.s32 $0x840, s23;
	s16 =	sadd.s32 $0xC00, s28  }
0x10e: {  	[hbm4b:s26+s17] =	stream.strided.scatter [tilespmem:s16], [sflag:$0x1], $0x1000, s14, s17, $0x38;
	[tilespmem:$0x10C00] =	vst v63  }
0x10f: {  	s0 =	sadd.s32 s22, s30;
	s29 =	sadd.s32 $0xC00, s23;
	s30 =	sadd.s32 $0xC00, s25  }
0x110: {  	[hbm4b:s29+s17] =	stream.strided.scatter [tilespmem:s30], [sflag:$0x1], $0x1000, s14, s17, $0x38;
	[tilespmem:$0x10C00] =	vst v63  }
0x111: {  	s24 =	spop (v2sf)  }
0x112: {  	s0 =	sadd.s32 s0, s24  }
0x113: {  	s31 =	sadd.s32 $0xC40, s23;
	s0 =	sor.u32 $0xC00, s0  }
0x114: {  	[hbm4b:s31+s17] =	stream.strided.scatter [tilespmem:s0], [sflag:$0x1], $0x1000, s14, s17, $0x38;
	[tilespmem:$0x10C00] =	vst v63  }
0x115: {  	_ =	swait.ge [sflag:s18], $0x1000  }
0x116: {  	[sflag:s18] =	ssyncset.done $0x0  }
0x117: {  	[sflag:s18] =	ssyncadd.s32 $0xFFFFF000  }
0x118: {  	_ =	swait.ge [sflag:s18], $0x1000  }
0x119: {  	[sflag:s18] =	ssyncset.done $0x0  }
0x11a: {  	[sflag:s18] =	ssyncadd.s32 $0xFFFFF000  }
0x11b: {  	_ =	swait.ge [sflag:s18], $0x1000  }
0x11c: {  	[sflag:s18] =	ssyncset.done $0x0  }
0x11d: {  	[sflag:s18] =	ssyncadd.s32 $0xFFFFF000  }
0x11e: {  	_ =	swait.ge [sflag:s18], $0x1000  }
0x11f: {  	[sflag:s18] =	ssyncset.done $0x0  }
0x120: {  	[sflag:s18] =	ssyncadd.s32 $0xFFFFF000  }
0x121: {  	_ =	swait.ge [sflag:s18], $0x1000  }
0x122: {  	[sflag:s18] =	ssyncset.done $0x0  }
0x123: {  	[sflag:s18] =	ssyncadd.s32 $0xFFFFF000  }
0x124: {  	_ =	swait.ge [sflag:s18], $0x1000  }
0x125: {  	[sflag:s18] =	ssyncset.done $0x0  }
0x126: {  	[sflag:s18] =	ssyncadd.s32 $0xFFFFF000  }
0x127: {  	_ =	swait.ge [sflag:s18], $0x1000  }
0x128: {  	[sflag:s18] =	ssyncset.done $0x0  }
0x129: {  	[sflag:s18] =	ssyncadd.s32 $0xFFFFF000  }
0x12a: {  	_ =	swait.ge [sflag:s18], $0x1000  }
0x12b: {  	[sflag:s18] =	ssyncset.done $0x0  }
0x12c: {  	[sflag:s18] =	ssyncadd.s32 $0xFFFFF000  }
0x12d: {  	_ =	swait.ge [sflag:s18], $0x1000  }
0x12e: {  	[sflag:s18] =	ssyncset.done $0x0  }
0x12f: {  	[sflag:s18] =	ssyncadd.s32 $0xFFFFF000  }
0x130: {  	_ =	swait.ge [sflag:s18], $0x1000  }
0x131: {  	[sflag:s18] =	ssyncset.done $0x0  }
0x132: {  	[sflag:s18] =	ssyncadd.s32 $0xFFFFF000  }
0x133: {  	_ =	swait.ge [sflag:s18], $0x1000  }
0x134: {  	[sflag:s18] =	ssyncset.done $0x0  }
0x135: {  	[sflag:s18] =	ssyncadd.s32 $0xFFFFF000  }
0x136: {  	_ =	swait.ge [sflag:s18], $0x1000  }
0x137: {  	[sflag:s18] =	ssyncset.done $0x0  }
0x138: {  	[sflag:s18] =	ssyncadd.s32 $0xFFFFF000  }
0x139: {  	_ =	swait.ge [sflag:s18], $0x1000  }
0x13a: {  	[sflag:s18] =	ssyncset.done $0x0  }
0x13b: {  	[sflag:s18] =	ssyncadd.s32 $0xFFFFF000  }
0x13c: {  	_ =	swait.ge [sflag:s18], $0x1000  }
0x13d: {  	[sflag:s18] =	ssyncset.done $0x0  }
0x13e: {  	s19 =	sadd.s32 $0x1, s19;
	[sflag:s18] =	ssyncadd.s32 $0xFFFFF000  }
0x13f: {  	p0 =	sne.s32 s19, s13;
	_ =	swait.ge [sflag:s18], $0x1000  }
.Ltmp2:
0x140: {  	[sflag:s18] =	ssyncset.done $0x0;
	(pc) =	sbr.rel @p0 .LBB2_1-.Ltmp2, $4  }
0x141: {  	[sflag:s18] =	ssyncadd.s32 $0xFFFFF000  }
0x142: {  	_ =	swait.ge [sflag:s18], $0x1000  }
0x143: {  	[sflag:s18] =	ssyncset.done $0x0  }
0x144: {  	[sflag:s18] =	ssyncadd.s32 $0xFFFFF000  }
0x145: {  	_ =	sfence.sel $0x180000  }
0x146: {  	[bflag:$0x0] =	sbarrier.arrive $0xFFFF  }
0x147: {  	_ =	strace $0x90000047  }
0x148: {  	s0 =	stileid.u32;
	[bflag:$0x2] =	sbarrier.arrive $0xFFFF  }
0x149: {  	p0 =	sne.s32 s0, $0x0;
	s0 =	rddreg [dreg:$0x3]  }
0x14a: {  	s0 =	sadd.s32 @!p0 $0x100000, s0  }
0x14b: {  	[sflag:s0] =	ssyncadd.tile.s32 @!p0 $0x1;
	_ =	shalt  }
.Lfunc_end2:
_tile_overlayer_lowered:
.L_overlay_start_2:
0x14c: {  	(tag) =	ssettag $0x2  }
0x14d: {  	s0 =	rddreg [dreg:$0x0];
	s2 =	stileid.u32  }
0x14e: {  	s1 =	rddreg [dreg:$0x1];
	p0 =	sne.s32 s2, $0x0  }
0x14f: {  	s3 =	rddreg [dreg:$0x2];
	[bflag:$0x3] =	sbarrier.arrive $0xFFFF;
	s2 =	simm.s32 @!p0 $0x1C02  }
0x150: {  	[timem:s3], [sflag:s2] =	dma.local @!p0 [hbm:s0], s1  }
0x151: {  	s0 =	simm.s32 @!p0 $0x2  }
0x152: {  	_ =	swait.ge @!p0 [sflag:s0], s1  }
0x153: {  	s1 =	ssub.s32 @!p0 $0x0, s1;
	[sflag:s0] =	ssyncset.done @!p0 $0x0  }
0x154: {  	[sflag:s0] =	ssyncadd.s32 @!p0 s1  }
0x155: {  	[bflag:$0x3] =	sbarrier.arrive $0xFFFF  }
0x156: {  	_ =	shalt  }

</sc_bundles>
